<compile_context>
chip_gen: v7x
topology: tpu7x:2x2x1
jax: 0.10.2.dev20260603
libtpu: 0.0.44.dev20260713+nightly
codegen_flags: <defaults>
</compile_context>

<pallas_src>
import functools

import jax
import jax.numpy as jnp
from jax import lax
from jax.experimental import pallas as pl
from jax.experimental.pallas import tpu as pltpu
from jax.experimental.pallas import tpu_sc as plsc

V = 8192
NTOK = 8192
NW = 32
ROWS_PER_W = NTOK // NW
K = 8

_mesh = plsc.VectorSubcoreMesh(core_axis_name="c", subcore_axis_name="s")


@functools.partial(
    pl.kernel,
    mesh=_mesh,
    out_type=jax.ShapeDtypeStruct((NTOK, V), jnp.float32),
    scratch_types=[
        pltpu.VMEM((ROWS_PER_W,), jnp.int32),
    ]
    + [pltpu.SemaphoreType.DMA for _ in range(K)],
)
def _gather_kernel(ids_hbm, table_hbm, out_hbm, idx_v, *sems):
    wid = lax.axis_index("s") * 2 + lax.axis_index("c")
    base = wid * ROWS_PER_W
    pltpu.sync_copy(ids_hbm.at[wid], idx_v)

    def start_row(row, i, k):
        pltpu.make_async_copy(
            table_hbm.at[pl.ds(row, 1)],
            out_hbm.at[pl.ds(base + i, 1)],
            sems[k],
        ).start()

    def drain(k):
        pltpu.make_async_copy(
            table_hbm.at[pl.ds(0, 1)],
            out_hbm.at[pl.ds(base, 1)],
            sems[k],
        ).wait()

    v0 = idx_v[pl.ds(0, 16)]
    for lane in range(16):
        if lane >= K:
            drain(lane % K)
        start_row(v0[lane], lane, lane % K)

    def outer(g, carry):
        vg = idx_v[pl.ds(g * 16, 16)]
        for lane in range(16):
            drain(lane % K)
            start_row(vg[lane], g * 16 + lane, lane % K)
        return carry

    lax.fori_loop(1, ROWS_PER_W // 16, outer, 0)

    for k in range(K):
        drain(k)


def kernel(ids, table):
    B, T = ids.shape
    ids2 = ids.reshape(NW, ROWS_PER_W).astype(jnp.int32)
    out = _gather_kernel(ids2, table)
    return out.reshape(B, T, V)

# --- scband reference (transcript-rebuilt; emitter-appended) ---
"""Pipeline reference for scband-bi-gram-model-75076028334812 (READ-ONLY COPY).

The authoritative reference and input builder live on the scoring server;
editing this copy changes nothing except your own understanding.
"""

import jax, jax.numpy as jnp
import numpy as np

VOCAB = 8192
B, T = 4, 2048

def setup_inputs(seed: int = 0) -> dict:
    key = jax.random.key(seed)
    k_ids, k_tab = jax.random.split(key)
    ids = jax.random.randint(k_ids, (B, T), 0, VOCAB, dtype=jnp.int64) if jax.config.jax_enable_x64 else jax.random.randint(k_ids, (B, T), 0, VOCAB, dtype=jnp.int32)
    table = jax.random.normal(k_tab, (VOCAB, VOCAB), dtype=jnp.float32)
    return {"ids": ids, "table": table}

def reference(ids, table):
    # BiGramModel.forward with targets=None: logits = embedding(ids); loss = None
    logits = jnp.take(table, ids, axis=0)  # [B, T, VOCAB]
    return logits

if __name__ == "__main__":
    import jax
    _d = setup_inputs()
    print(jax.jit(kernel)(*tuple(_d.values())))

</pallas_src>

<mosaic_0001>
#map = affine_map<(d0, d1) -> (0, 0)>
module attributes {stable_mosaic.version = 14 : i64} {
  func.func @_gather_kernel(%arg0: i32, %arg1: i32, %arg2: memref<32x256xi32, #tpu.memory_space<hbm>>, %arg3: memref<8192x8192xf32, #tpu.memory_space<hbm>>, %arg4: memref<8192x8192xf32, #tpu.memory_space<hbm>>, %arg5: memref<256xi32, #tpu.memory_space<vmem>>, %arg6: memref<!tpu.dma_semaphore, #tpu.memory_space<semaphore_mem>>, %arg7: memref<!tpu.dma_semaphore, #tpu.memory_space<semaphore_mem>>, %arg8: memref<!tpu.dma_semaphore, #tpu.memory_space<semaphore_mem>>, %arg9: memref<!tpu.dma_semaphore, #tpu.memory_space<semaphore_mem>>, %arg10: memref<!tpu.dma_semaphore, #tpu.memory_space<semaphore_mem>>, %arg11: memref<!tpu.dma_semaphore, #tpu.memory_space<semaphore_mem>>, %arg12: memref<!tpu.dma_semaphore, #tpu.memory_space<semaphore_mem>>, %arg13: memref<!tpu.dma_semaphore, #tpu.memory_space<semaphore_mem>>) attributes {dimension_semantics = [#tpu.dimension_semantics<core_parallel>, #tpu.dimension_semantics<subcore_parallel>], iteration_bounds = array<i64: 2, 16>, scalar_prefetch = 0 : i64, scratch_operands = 9 : i64, tpu.core_type = #tpu.core_type<sc_vector_subcore>, window_params = [{transform_indices = #map}, {transform_indices = #map}, {transform_indices = #map}]} {
    %mul3A = arith.constant 2 : i32
    %mul3A_0 = arith.muli %arg1, %mul3A : i32
    %add3A = arith.addi %mul3A_0, %arg0 : i32
    %mul3A_1 = arith.constant 256 : i32
    %mul3A_2 = arith.muli %add3A, %mul3A_1 : i32
    "tpu.region"() ({
      %run_scoped3A = tpu.sem_alloc : memref<!tpu.dma_semaphore, #tpu.memory_space<semaphore_mem>>
      %dma_start3A_214 = arith.constant 0 : i32
      %dma_start3A_215 = tpu.memref_slice %arg2[%add3A, %dma_start3A_214] : memref<32x256xi32, #tpu.memory_space<hbm>> -> memref<1x256xi32, #tpu.memory_space<hbm>>
      %dma_start3A_216 = tpu.memref_squeeze %dma_start3A_215 : memref<1x256xi32, #tpu.memory_space<hbm>> -> memref<256xi32, #tpu.memory_space<hbm>>
      %dma_start3A_217 = arith.constant 0 : i32
      %dma_start3A_218 = tpu.memref_slice %arg2[%add3A, %dma_start3A_217] : memref<32x256xi32, #tpu.memory_space<hbm>> -> memref<1x256xi32, #tpu.memory_space<hbm>>
      %dma_start3A_219 = tpu.memref_squeeze %dma_start3A_218 : memref<1x256xi32, #tpu.memory_space<hbm>> -> memref<256xi32, #tpu.memory_space<hbm>>
      tpu.enqueue_dma source(%dma_start3A_219 : memref<256xi32, #tpu.memory_space<hbm>>) target(%arg5 : memref<256xi32, #tpu.memory_space<vmem>>) target_semaphore(%run_scoped3A : memref<!tpu.dma_semaphore, #tpu.memory_space<semaphore_mem>>)
      %dma_wait3A_220 = arith.constant 0 : i32
      %dma_wait3A_221 = tpu.memref_slice %arg2[%add3A, %dma_wait3A_220] : memref<32x256xi32, #tpu.memory_space<hbm>> -> memref<1x256xi32, #tpu.memory_space<hbm>>
      %dma_wait3A_222 = tpu.memref_squeeze %dma_wait3A_221 : memref<1x256xi32, #tpu.memory_space<hbm>> -> memref<256xi32, #tpu.memory_space<hbm>>
      %dma_wait3A_223 = arith.constant 0 : i32
      %dma_wait3A_224 = tpu.memref_slice %arg2[%add3A, %dma_wait3A_223] : memref<32x256xi32, #tpu.memory_space<hbm>> -> memref<1x256xi32, #tpu.memory_space<hbm>>
      %dma_wait3A_225 = tpu.memref_squeeze %dma_wait3A_224 : memref<1x256xi32, #tpu.memory_space<hbm>> -> memref<256xi32, #tpu.memory_space<hbm>>
      tpu.wait_dma2 semaphore(%run_scoped3A : memref<!tpu.dma_semaphore, #tpu.memory_space<semaphore_mem>>) src(%dma_wait3A_225 : memref<256xi32, #tpu.memory_space<hbm>>) dst(%arg5 : memref<256xi32, #tpu.memory_space<vmem>>)
      tpu.yield
    }) : () -> ()
    %get3A = arith.constant 0 : index
    %get3A_3 = tpu.vector_load %arg5[%get3A] {strides = array<i32>} : memref<256xi32, #tpu.memory_space<vmem>>, vector<16xi32>,
    %get3A_4 = vector.shape_cast %get3A_3 : vector<16xi32> to vector<16xi32>
    %slice3A = vector.extract_strided_slice %get3A_4 {offsets = [0], sizes = [1], strides = [1]} : vector<16xi32> to vector<1xi32>
    %squeeze3A = vector.extract %slice3A[0] : i32 from vector<1xi32>
    %add3A_5 = arith.constant 0 : i32
    %add3A_6 = arith.addi %mul3A_2, %add3A_5 : i32
    %dma_start3A = arith.constant 0 : i32
    %dma_start3A_7 = tpu.memref_slice %arg4[%add3A_6, %dma_start3A] : memref<8192x8192xf32, #tpu.memory_space<hbm>> -> memref<1x8192xf32, #tpu.memory_space<hbm>>
    %dma_start3A_8 = arith.constant 0 : i32
    %dma_start3A_9 = tpu.memref_slice %arg3[%squeeze3A, %dma_start3A_8] : memref<8192x8192xf32, #tpu.memory_space<hbm>> -> memref<1x8192xf32, #tpu.memory_space<hbm>>
    tpu.enqueue_dma source(%dma_start3A_9 : memref<1x8192xf32, #tpu.memory_space<hbm>>) target(%dma_start3A_7 : memref<1x8192xf32, #tpu.memory_space<hbm>>) target_semaphore(%arg6 : memref<!tpu.dma_semaphore, #tpu.memory_space<semaphore_mem>>)
    %slice3A_10 = vector.extract_strided_slice %get3A_4 {offsets = [1], sizes = [1], strides = [1]} : vector<16xi32> to vector<1xi32>
    %squeeze3A_11 = vector.extract %slice3A_10[0] : i32 from vector<1xi32>
    %add3A_12 = arith.constant 1 : i32
    %add3A_13 = arith.addi %mul3A_2, %add3A_12 : i32
    %dma_start3A_14 = arith.constant 0 : i32
    %dma_start3A_15 = tpu.memref_slice %arg4[%add3A_13, %dma_start3A_14] : memref<8192x8192xf32, #tpu.memory_space<hbm>> -> memref<1x8192xf32, #tpu.memory_space<hbm>>
    %dma_start3A_16 = arith.constant 0 : i32
    %dma_start3A_17 = tpu.memref_slice %arg3[%squeeze3A_11, %dma_start3A_16] : memref<8192x8192xf32, #tpu.memory_space<hbm>> -> memref<1x8192xf32, #tpu.memory_space<hbm>>
    tpu.enqueue_dma source(%dma_start3A_17 : memref<1x8192xf32, #tpu.memory_space<hbm>>) target(%dma_start3A_15 : memref<1x8192xf32, #tpu.memory_space<hbm>>) target_semaphore(%arg7 : memref<!tpu.dma_semaphore, #tpu.memory_space<semaphore_mem>>)
    %slice3A_18 = vector.extract_strided_slice %get3A_4 {offsets = [2], sizes = [1], strides = [1]} : vector<16xi32> to vector<1xi32>
    %squeeze3A_19 = vector.extract %slice3A_18[0] : i32 from vector<1xi32>
    %add3A_20 = arith.constant 2 : i32
    %add3A_21 = arith.addi %mul3A_2, %add3A_20 : i32
    %dma_start3A_22 = arith.constant 0 : i32
    %dma_start3A_23 = tpu.memref_slice %arg4[%add3A_21, %dma_start3A_22] : memref<8192x8192xf32, #tpu.memory_space<hbm>> -> memref<1x8192xf32, #tpu.memory_space<hbm>>
    %dma_start3A_24 = arith.constant 0 : i32
    %dma_start3A_25 = tpu.memref_slice %arg3[%squeeze3A_19, %dma_start3A_24] : memref<8192x8192xf32, #tpu.memory_space<hbm>> -> memref<1x8192xf32, #tpu.memory_space<hbm>>
    tpu.enqueue_dma source(%dma_start3A_25 : memref<1x8192xf32, #tpu.memory_space<hbm>>) target(%dma_start3A_23 : memref<1x8192xf32, #tpu.memory_space<hbm>>) target_semaphore(%arg8 : memref<!tpu.dma_semaphore, #tpu.memory_space<semaphore_mem>>)
    %slice3A_26 = vector.extract_strided_slice %get3A_4 {offsets = [3], sizes = [1], strides = [1]} : vector<16xi32> to vector<1xi32>
    %squeeze3A_27 = vector.extract %slice3A_26[0] : i32 from vector<1xi32>
    %add3A_28 = arith.constant 3 : i32
    %add3A_29 = arith.addi %mul3A_2, %add3A_28 : i32
    %dma_start3A_30 = arith.constant 0 : i32
    %dma_start3A_31 = tpu.memref_slice %arg4[%add3A_29, %dma_start3A_30] : memref<8192x8192xf32, #tpu.memory_space<hbm>> -> memref<1x8192xf32, #tpu.memory_space<hbm>>
    %dma_start3A_32 = arith.constant 0 : i32
    %dma_start3A_33 = tpu.memref_slice %arg3[%squeeze3A_27, %dma_start3A_32] : memref<8192x8192xf32, #tpu.memory_space<hbm>> -> memref<1x8192xf32, #tpu.memory_space<hbm>>
    tpu.enqueue_dma source(%dma_start3A_33 : memref<1x8192xf32, #tpu.memory_space<hbm>>) target(%dma_start3A_31 : memref<1x8192xf32, #tpu.memory_space<hbm>>) target_semaphore(%arg9 : memref<!tpu.dma_semaphore, #tpu.memory_space<semaphore_mem>>)
    %slice3A_34 = vector.extract_strided_slice %get3A_4 {offsets = [4], sizes = [1], strides = [1]} : vector<16xi32> to vector<1xi32>
    %squeeze3A_35 = vector.extract %slice3A_34[0] : i32 from vector<1xi32>
    %add3A_36 = arith.constant 4 : i32
    %add3A_37 = arith.addi %mul3A_2, %add3A_36 : i32
    %dma_start3A_38 = arith.constant 0 : i32
    %dma_start3A_39 = tpu.memref_slice %arg4[%add3A_37, %dma_start3A_38] : memref<8192x8192xf32, #tpu.memory_space<hbm>> -> memref<1x8192xf32, #tpu.memory_space<hbm>>
    %dma_start3A_40 = arith.constant 0 : i32
    %dma_start3A_41 = tpu.memref_slice %arg3[%squeeze3A_35, %dma_start3A_40] : memref<8192x8192xf32, #tpu.memory_space<hbm>> -> memref<1x8192xf32, #tpu.memory_space<hbm>>
    tpu.enqueue_dma source(%dma_start3A_41 : memref<1x8192xf32, #tpu.memory_space<hbm>>) target(%dma_start3A_39 : memref<1x8192xf32, #tpu.memory_space<hbm>>) target_semaphore(%arg10 : memref<!tpu.dma_semaphore, #tpu.memory_space<semaphore_mem>>)
    %slice3A_42 = vector.extract_strided_slice %get3A_4 {offsets = [5], sizes = [1], strides = [1]} : vector<16xi32> to vector<1xi32>
    %squeeze3A_43 = vector.extract %slice3A_42[0] : i32 from vector<1xi32>
    %add3A_44 = arith.constant 5 : i32
    %add3A_45 = arith.addi %mul3A_2, %add3A_44 : i32
    %dma_start3A_46 = arith.constant 0 : i32
    %dma_start3A_47 = tpu.memref_slice %arg4[%add3A_45, %dma_start3A_46] : memref<8192x8192xf32, #tpu.memory_space<hbm>> -> memref<1x8192xf32, #tpu.memory_space<hbm>>
    %dma_start3A_48 = arith.constant 0 : i32
    %dma_start3A_49 = tpu.memref_slice %arg3[%squeeze3A_43, %dma_start3A_48] : memref<8192x8192xf32, #tpu.memory_space<hbm>> -> memref<1x8192xf32, #tpu.memory_space<hbm>>
    tpu.enqueue_dma source(%dma_start3A_49 : memref<1x8192xf32, #tpu.memory_space<hbm>>) target(%dma_start3A_47 : memref<1x8192xf32, #tpu.memory_space<hbm>>) target_semaphore(%arg11 : memref<!tpu.dma_semaphore, #tpu.memory_space<semaphore_mem>>)
    %slice3A_50 = vector.extract_strided_slice %get3A_4 {offsets = [6], sizes = [1], strides = [1]} : vector<16xi32> to vector<1xi32>
    %squeeze3A_51 = vector.extract %slice3A_50[0] : i32 from vector<1xi32>
    %add3A_52 = arith.constant 6 : i32
    %add3A_53 = arith.addi %mul3A_2, %add3A_52 : i32
    %dma_start3A_54 = arith.constant 0 : i32
    %dma_start3A_55 = tpu.memref_slice %arg4[%add3A_53, %dma_start3A_54] : memref<8192x8192xf32, #tpu.memory_space<hbm>> -> memref<1x8192xf32, #tpu.memory_space<hbm>>
    %dma_start3A_56 = arith.constant 0 : i32
    %dma_start3A_57 = tpu.memref_slice %arg3[%squeeze3A_51, %dma_start3A_56] : memref<8192x8192xf32, #tpu.memory_space<hbm>> -> memref<1x8192xf32, #tpu.memory_space<hbm>>
    tpu.enqueue_dma source(%dma_start3A_57 : memref<1x8192xf32, #tpu.memory_space<hbm>>) target(%dma_start3A_55 : memref<1x8192xf32, #tpu.memory_space<hbm>>) target_semaphore(%arg12 : memref<!tpu.dma_semaphore, #tpu.memory_space<semaphore_mem>>)
    %slice3A_58 = vector.extract_strided_slice %get3A_4 {offsets = [7], sizes = [1], strides = [1]} : vector<16xi32> to vector<1xi32>
    %squeeze3A_59 = vector.extract %slice3A_58[0] : i32 from vector<1xi32>
    %add3A_60 = arith.constant 7 : i32
    %add3A_61 = arith.addi %mul3A_2, %add3A_60 : i32
    %dma_start3A_62 = arith.constant 0 : i32
    %dma_start3A_63 = tpu.memref_slice %arg4[%add3A_61, %dma_start3A_62] : memref<8192x8192xf32, #tpu.memory_space<hbm>> -> memref<1x8192xf32, #tpu.memory_space<hbm>>
    %dma_start3A_64 = arith.constant 0 : i32
    %dma_start3A_65 = tpu.memref_slice %arg3[%squeeze3A_59, %dma_start3A_64] : memref<8192x8192xf32, #tpu.memory_space<hbm>> -> memref<1x8192xf32, #tpu.memory_space<hbm>>
    tpu.enqueue_dma source(%dma_start3A_65 : memref<1x8192xf32, #tpu.memory_space<hbm>>) target(%dma_start3A_63 : memref<1x8192xf32, #tpu.memory_space<hbm>>) target_semaphore(%arg13 : memref<!tpu.dma_semaphore, #tpu.memory_space<semaphore_mem>>)
    %dma_wait3A = arith.constant 0 : i32
    %dma_wait3A_66 = tpu.memref_slice %arg4[%mul3A_2, %dma_wait3A] : memref<8192x8192xf32, #tpu.memory_space<hbm>> -> memref<1x8192xf32, #tpu.memory_space<hbm>>
    %dma_wait3A_67 = arith.constant 0 : i32
    %dma_wait3A_68 = arith.constant 0 : i32
    %dma_wait3A_69 = tpu.memref_slice %arg3[%dma_wait3A_67, %dma_wait3A_68] : memref<8192x8192xf32, #tpu.memory_space<hbm>> -> memref<1x8192xf32, #tpu.memory_space<hbm>>
    tpu.wait_dma2 semaphore(%arg6 : memref<!tpu.dma_semaphore, #tpu.memory_space<semaphore_mem>>) src(%dma_wait3A_69 : memref<1x8192xf32, #tpu.memory_space<hbm>>) dst(%dma_wait3A_66 : memref<1x8192xf32, #tpu.memory_space<hbm>>)
    %slice3A_70 = vector.extract_strided_slice %get3A_4 {offsets = [8], sizes = [1], strides = [1]} : vector<16xi32> to vector<1xi32>
    %squeeze3A_71 = vector.extract %slice3A_70[0] : i32 from vector<1xi32>
    %add3A_72 = arith.constant 8 : i32
    %add3A_73 = arith.addi %mul3A_2, %add3A_72 : i32
    %dma_start3A_74 = arith.constant 0 : i32
    %dma_start3A_75 = tpu.memref_slice %arg4[%add3A_73, %dma_start3A_74] : memref<8192x8192xf32, #tpu.memory_space<hbm>> -> memref<1x8192xf32, #tpu.memory_space<hbm>>
    %dma_start3A_76 = arith.constant 0 : i32
    %dma_start3A_77 = tpu.memref_slice %arg3[%squeeze3A_71, %dma_start3A_76] : memref<8192x8192xf32, #tpu.memory_space<hbm>> -> memref<1x8192xf32, #tpu.memory_space<hbm>>
    tpu.enqueue_dma source(%dma_start3A_77 : memref<1x8192xf32, #tpu.memory_space<hbm>>) target(%dma_start3A_75 : memref<1x8192xf32, #tpu.memory_space<hbm>>) target_semaphore(%arg6 : memref<!tpu.dma_semaphore, #tpu.memory_space<semaphore_mem>>)
    %dma_wait3A_78 = arith.constant 0 : i32
    %dma_wait3A_79 = tpu.memref_slice %arg4[%mul3A_2, %dma_wait3A_78] : memref<8192x8192xf32, #tpu.memory_space<hbm>> -> memref<1x8192xf32, #tpu.memory_space<hbm>>
    %dma_wait3A_80 = arith.constant 0 : i32
    %dma_wait3A_81 = arith.constant 0 : i32
    %dma_wait3A_82 = tpu.memref_slice %arg3[%dma_wait3A_80, %dma_wait3A_81] : memref<8192x8192xf32, #tpu.memory_space<hbm>> -> memref<1x8192xf32, #tpu.memory_space<hbm>>
    tpu.wait_dma2 semaphore(%arg7 : memref<!tpu.dma_semaphore, #tpu.memory_space<semaphore_mem>>) src(%dma_wait3A_82 : memref<1x8192xf32, #tpu.memory_space<hbm>>) dst(%dma_wait3A_79 : memref<1x8192xf32, #tpu.memory_space<hbm>>)
    %slice3A_83 = vector.extract_strided_slice %get3A_4 {offsets = [9], sizes = [1], strides = [1]} : vector<16xi32> to vector<1xi32>
    %squeeze3A_84 = vector.extract %slice3A_83[0] : i32 from vector<1xi32>
    %add3A_85 = arith.constant 9 : i32
    %add3A_86 = arith.addi %mul3A_2, %add3A_85 : i32
    %dma_start3A_87 = arith.constant 0 : i32
    %dma_start3A_88 = tpu.memref_slice %arg4[%add3A_86, %dma_start3A_87] : memref<8192x8192xf32, #tpu.memory_space<hbm>> -> memref<1x8192xf32, #tpu.memory_space<hbm>>
    %dma_start3A_89 = arith.constant 0 : i32
    %dma_start3A_90 = tpu.memref_slice %arg3[%squeeze3A_84, %dma_start3A_89] : memref<8192x8192xf32, #tpu.memory_space<hbm>> -> memref<1x8192xf32, #tpu.memory_space<hbm>>
    tpu.enqueue_dma source(%dma_start3A_90 : memref<1x8192xf32, #tpu.memory_space<hbm>>) target(%dma_start3A_88 : memref<1x8192xf32, #tpu.memory_space<hbm>>) target_semaphore(%arg7 : memref<!tpu.dma_semaphore, #tpu.memory_space<semaphore_mem>>)
    %dma_wait3A_91 = arith.constant 0 : i32
    %dma_wait3A_92 = tpu.memref_slice %arg4[%mul3A_2, %dma_wait3A_91] : memref<8192x8192xf32, #tpu.memory_space<hbm>> -> memref<1x8192xf32, #tpu.memory_space<hbm>>
    %dma_wait3A_93 = arith.constant 0 : i32
    %dma_wait3A_94 = arith.constant 0 : i32
    %dma_wait3A_95 = tpu.memref_slice %arg3[%dma_wait3A_93, %dma_wait3A_94] : memref<8192x8192xf32, #tpu.memory_space<hbm>> -> memref<1x8192xf32, #tpu.memory_space<hbm>>
    tpu.wait_dma2 semaphore(%arg8 : memref<!tpu.dma_semaphore, #tpu.memory_space<semaphore_mem>>) src(%dma_wait3A_95 : memref<1x8192xf32, #tpu.memory_space<hbm>>) dst(%dma_wait3A_92 : memref<1x8192xf32, #tpu.memory_space<hbm>>)
    %slice3A_96 = vector.extract_strided_slice %get3A_4 {offsets = [10], sizes = [1], strides = [1]} : vector<16xi32> to vector<1xi32>
    %squeeze3A_97 = vector.extract %slice3A_96[0] : i32 from vector<1xi32>
    %add3A_98 = arith.constant 10 : i32
    %add3A_99 = arith.addi %mul3A_2, %add3A_98 : i32
    %dma_start3A_100 = arith.constant 0 : i32
    %dma_start3A_101 = tpu.memref_slice %arg4[%add3A_99, %dma_start3A_100] : memref<8192x8192xf32, #tpu.memory_space<hbm>> -> memref<1x8192xf32, #tpu.memory_space<hbm>>
    %dma_start3A_102 = arith.constant 0 : i32
    %dma_start3A_103 = tpu.memref_slice %arg3[%squeeze3A_97, %dma_start3A_102] : memref<8192x8192xf32, #tpu.memory_space<hbm>> -> memref<1x8192xf32, #tpu.memory_space<hbm>>
    tpu.enqueue_dma source(%dma_start3A_103 : memref<1x8192xf32, #tpu.memory_space<hbm>>) target(%dma_start3A_101 : memref<1x8192xf32, #tpu.memory_space<hbm>>) target_semaphore(%arg8 : memref<!tpu.dma_semaphore, #tpu.memory_space<semaphore_mem>>)
    %dma_wait3A_104 = arith.constant 0 : i32
    %dma_wait3A_105 = tpu.memref_slice %arg4[%mul3A_2, %dma_wait3A_104] : memref<8192x8192xf32, #tpu.memory_space<hbm>> -> memref<1x8192xf32, #tpu.memory_space<hbm>>
    %dma_wait3A_106 = arith.constant 0 : i32
    %dma_wait3A_107 = arith.constant 0 : i32
    %dma_wait3A_108 = tpu.memref_slice %arg3[%dma_wait3A_106, %dma_wait3A_107] : memref<8192x8192xf32, #tpu.memory_space<hbm>> -> memref<1x8192xf32, #tpu.memory_space<hbm>>
    tpu.wait_dma2 semaphore(%arg9 : memref<!tpu.dma_semaphore, #tpu.memory_space<semaphore_mem>>) src(%dma_wait3A_108 : memref<1x8192xf32, #tpu.memory_space<hbm>>) dst(%dma_wait3A_105 : memref<1x8192xf32, #tpu.memory_space<hbm>>)
    %slice3A_109 = vector.extract_strided_slice %get3A_4 {offsets = [11], sizes = [1], strides = [1]} : vector<16xi32> to vector<1xi32>
    %squeeze3A_110 = vector.extract %slice3A_109[0] : i32 from vector<1xi32>
    %add3A_111 = arith.constant 11 : i32
    %add3A_112 = arith.addi %mul3A_2, %add3A_111 : i32
    %dma_start3A_113 = arith.constant 0 : i32
    %dma_start3A_114 = tpu.memref_slice %arg4[%add3A_112, %dma_start3A_113] : memref<8192x8192xf32, #tpu.memory_space<hbm>> -> memref<1x8192xf32, #tpu.memory_space<hbm>>
    %dma_start3A_115 = arith.constant 0 : i32
    %dma_start3A_116 = tpu.memref_slice %arg3[%squeeze3A_110, %dma_start3A_115] : memref<8192x8192xf32, #tpu.memory_space<hbm>> -> memref<1x8192xf32, #tpu.memory_space<hbm>>
    tpu.enqueue_dma source(%dma_start3A_116 : memref<1x8192xf32, #tpu.memory_space<hbm>>) target(%dma_start3A_114 : memref<1x8192xf32, #tpu.memory_space<hbm>>) target_semaphore(%arg9 : memref<!tpu.dma_semaphore, #tpu.memory_space<semaphore_mem>>)
    %dma_wait3A_117 = arith.constant 0 : i32
    %dma_wait3A_118 = tpu.memref_slice %arg4[%mul3A_2, %dma_wait3A_117] : memref<8192x8192xf32, #tpu.memory_space<hbm>> -> memref<1x8192xf32, #tpu.memory_space<hbm>>
    %dma_wait3A_119 = arith.constant 0 : i32
    %dma_wait3A_120 = arith.constant 0 : i32
    %dma_wait3A_121 = tpu.memref_slice %arg3[%dma_wait3A_119, %dma_wait3A_120] : memref<8192x8192xf32, #tpu.memory_space<hbm>> -> memref<1x8192xf32, #tpu.memory_space<hbm>>
    tpu.wait_dma2 semaphore(%arg10 : memref<!tpu.dma_semaphore, #tpu.memory_space<semaphore_mem>>) src(%dma_wait3A_121 : memref<1x8192xf32, #tpu.memory_space<hbm>>) dst(%dma_wait3A_118 : memref<1x8192xf32, #tpu.memory_space<hbm>>)
    %slice3A_122 = vector.extract_strided_slice %get3A_4 {offsets = [12], sizes = [1], strides = [1]} : vector<16xi32> to vector<1xi32>
    %squeeze3A_123 = vector.extract %slice3A_122[0] : i32 from vector<1xi32>
    %add3A_124 = arith.constant 12 : i32
    %add3A_125 = arith.addi %mul3A_2, %add3A_124 : i32
    %dma_start3A_126 = arith.constant 0 : i32
    %dma_start3A_127 = tpu.memref_slice %arg4[%add3A_125, %dma_start3A_126] : memref<8192x8192xf32, #tpu.memory_space<hbm>> -> memref<1x8192xf32, #tpu.memory_space<hbm>>
    %dma_start3A_128 = arith.constant 0 : i32
    %dma_start3A_129 = tpu.memref_slice %arg3[%squeeze3A_123, %dma_start3A_128] : memref<8192x8192xf32, #tpu.memory_space<hbm>> -> memref<1x8192xf32, #tpu.memory_space<hbm>>
    tpu.enqueue_dma source(%dma_start3A_129 : memref<1x8192xf32, #tpu.memory_space<hbm>>) target(%dma_start3A_127 : memref<1x8192xf32, #tpu.memory_space<hbm>>) target_semaphore(%arg10 : memref<!tpu.dma_semaphore, #tpu.memory_space<semaphore_mem>>)
    %dma_wait3A_130 = arith.constant 0 : i32
    %dma_wait3A_131 = tpu.memref_slice %arg4[%mul3A_2, %dma_wait3A_130] : memref<8192x8192xf32, #tpu.memory_space<hbm>> -> memref<1x8192xf32, #tpu.memory_space<hbm>>
    %dma_wait3A_132 = arith.constant 0 : i32
    %dma_wait3A_133 = arith.constant 0 : i32
    %dma_wait3A_134 = tpu.memref_slice %arg3[%dma_wait3A_132, %dma_wait3A_133] : memref<8192x8192xf32, #tpu.memory_space<hbm>> -> memref<1x8192xf32, #tpu.memory_space<hbm>>
    tpu.wait_dma2 semaphore(%arg11 : memref<!tpu.dma_semaphore, #tpu.memory_space<semaphore_mem>>) src(%dma_wait3A_134 : memref<1x8192xf32, #tpu.memory_space<hbm>>) dst(%dma_wait3A_131 : memref<1x8192xf32, #tpu.memory_space<hbm>>)
    %slice3A_135 = vector.extract_strided_slice %get3A_4 {offsets = [13], sizes = [1], strides = [1]} : vector<16xi32> to vector<1xi32>
    %squeeze3A_136 = vector.extract %slice3A_135[0] : i32 from vector<1xi32>
    %add3A_137 = arith.constant 13 : i32
    %add3A_138 = arith.addi %mul3A_2, %add3A_137 : i32
    %dma_start3A_139 = arith.constant 0 : i32
    %dma_start3A_140 = tpu.memref_slice %arg4[%add3A_138, %dma_start3A_139] : memref<8192x8192xf32, #tpu.memory_space<hbm>> -> memref<1x8192xf32, #tpu.memory_space<hbm>>
    %dma_start3A_141 = arith.constant 0 : i32
    %dma_start3A_142 = tpu.memref_slice %arg3[%squeeze3A_136, %dma_start3A_141] : memref<8192x8192xf32, #tpu.memory_space<hbm>> -> memref<1x8192xf32, #tpu.memory_space<hbm>>
    tpu.enqueue_dma source(%dma_start3A_142 : memref<1x8192xf32, #tpu.memory_space<hbm>>) target(%dma_start3A_140 : memref<1x8192xf32, #tpu.memory_space<hbm>>) target_semaphore(%arg11 : memref<!tpu.dma_semaphore, #tpu.memory_space<semaphore_mem>>)
    %dma_wait3A_143 = arith.constant 0 : i32
    %dma_wait3A_144 = tpu.memref_slice %arg4[%mul3A_2, %dma_wait3A_143] : memref<8192x8192xf32, #tpu.memory_space<hbm>> -> memref<1x8192xf32, #tpu.memory_space<hbm>>
    %dma_wait3A_145 = arith.constant 0 : i32
    %dma_wait3A_146 = arith.constant 0 : i32
    %dma_wait3A_147 = tpu.memref_slice %arg3[%dma_wait3A_145, %dma_wait3A_146] : memref<8192x8192xf32, #tpu.memory_space<hbm>> -> memref<1x8192xf32, #tpu.memory_space<hbm>>
    tpu.wait_dma2 semaphore(%arg12 : memref<!tpu.dma_semaphore, #tpu.memory_space<semaphore_mem>>) src(%dma_wait3A_147 : memref<1x8192xf32, #tpu.memory_space<hbm>>) dst(%dma_wait3A_144 : memref<1x8192xf32, #tpu.memory_space<hbm>>)
    %slice3A_148 = vector.extract_strided_slice %get3A_4 {offsets = [14], sizes = [1], strides = [1]} : vector<16xi32> to vector<1xi32>
    %squeeze3A_149 = vector.extract %slice3A_148[0] : i32 from vector<1xi32>
    %add3A_150 = arith.constant 14 : i32
    %add3A_151 = arith.addi %mul3A_2, %add3A_150 : i32
    %dma_start3A_152 = arith.constant 0 : i32
    %dma_start3A_153 = tpu.memref_slice %arg4[%add3A_151, %dma_start3A_152] : memref<8192x8192xf32, #tpu.memory_space<hbm>> -> memref<1x8192xf32, #tpu.memory_space<hbm>>
    %dma_start3A_154 = arith.constant 0 : i32
    %dma_start3A_155 = tpu.memref_slice %arg3[%squeeze3A_149, %dma_start3A_154] : memref<8192x8192xf32, #tpu.memory_space<hbm>> -> memref<1x8192xf32, #tpu.memory_space<hbm>>
    tpu.enqueue_dma source(%dma_start3A_155 : memref<1x8192xf32, #tpu.memory_space<hbm>>) target(%dma_start3A_153 : memref<1x8192xf32, #tpu.memory_space<hbm>>) target_semaphore(%arg12 : memref<!tpu.dma_semaphore, #tpu.memory_space<semaphore_mem>>)
    %dma_wait3A_156 = arith.constant 0 : i32
    %dma_wait3A_157 = tpu.memref_slice %arg4[%mul3A_2, %dma_wait3A_156] : memref<8192x8192xf32, #tpu.memory_space<hbm>> -> memref<1x8192xf32, #tpu.memory_space<hbm>>
    %dma_wait3A_158 = arith.constant 0 : i32
    %dma_wait3A_159 = arith.constant 0 : i32
    %dma_wait3A_160 = tpu.memref_slice %arg3[%dma_wait3A_158, %dma_wait3A_159] : memref<8192x8192xf32, #tpu.memory_space<hbm>> -> memref<1x8192xf32, #tpu.memory_space<hbm>>
    tpu.wait_dma2 semaphore(%arg13 : memref<!tpu.dma_semaphore, #tpu.memory_space<semaphore_mem>>) src(%dma_wait3A_160 : memref<1x8192xf32, #tpu.memory_space<hbm>>) dst(%dma_wait3A_157 : memref<1x8192xf32, #tpu.memory_space<hbm>>)
    %slice3A_161 = vector.extract_strided_slice %get3A_4 {offsets = [15], sizes = [1], strides = [1]} : vector<16xi32> to vector<1xi32>
    %squeeze3A_162 = vector.extract %slice3A_161[0] : i32 from vector<1xi32>
    %add3A_163 = arith.constant 15 : i32
    %add3A_164 = arith.addi %mul3A_2, %add3A_163 : i32
    %dma_start3A_165 = arith.constant 0 : i32
    %dma_start3A_166 = tpu.memref_slice %arg4[%add3A_164, %dma_start3A_165] : memref<8192x8192xf32, #tpu.memory_space<hbm>> -> memref<1x8192xf32, #tpu.memory_space<hbm>>
    %dma_start3A_167 = arith.constant 0 : i32
    %dma_start3A_168 = tpu.memref_slice %arg3[%squeeze3A_162, %dma_start3A_167] : memref<8192x8192xf32, #tpu.memory_space<hbm>> -> memref<1x8192xf32, #tpu.memory_space<hbm>>
    tpu.enqueue_dma source(%dma_start3A_168 : memref<1x8192xf32, #tpu.memory_space<hbm>>) target(%dma_start3A_166 : memref<1x8192xf32, #tpu.memory_space<hbm>>) target_semaphore(%arg13 : memref<!tpu.dma_semaphore, #tpu.memory_space<semaphore_mem>>)
    %scan3A = arith.constant 0 : i32
    %scan3A_169 = arith.constant 1 : i32
    %scan3A_170 = arith.constant 15 : i32
    %scan3A_171 = arith.addi %scan3A_169, %scan3A_170 : i32
    %scan3A_172 = arith.constant 1 : i32
    scf.for %scan3A_214 = %scan3A_169 to %scan3A_171 step %scan3A_172  : i32 {
      %mul3A_215 = arith.constant 16 : i32
      %mul3A_216 = arith.muli %scan3A_214, %mul3A_215 : i32
      %get3A_217 = arith.index_cast %mul3A_216 : i32 to index
      %get3A_218 = tpu.vector_load %arg5[%get3A_217] {strides = array<i32>} : memref<256xi32, #tpu.memory_space<vmem>>, vector<16xi32>,
      %get3A_219 = vector.shape_cast %get3A_218 : vector<16xi32> to vector<16xi32>
      %dma_wait3A_220 = arith.constant 0 : i32
      %dma_wait3A_221 = tpu.memref_slice %arg4[%mul3A_2, %dma_wait3A_220] : memref<8192x8192xf32, #tpu.memory_space<hbm>> -> memref<1x8192xf32, #tpu.memory_space<hbm>>
      %dma_wait3A_222 = arith.constant 0 : i32
      %dma_wait3A_223 = arith.constant 0 : i32
      %dma_wait3A_224 = tpu.memref_slice %arg3[%dma_wait3A_222, %dma_wait3A_223] : memref<8192x8192xf32, #tpu.memory_space<hbm>> -> memref<1x8192xf32, #tpu.memory_space<hbm>>
      tpu.wait_dma2 semaphore(%arg6 : memref<!tpu.dma_semaphore, #tpu.memory_space<semaphore_mem>>) src(%dma_wait3A_224 : memref<1x8192xf32, #tpu.memory_space<hbm>>) dst(%dma_wait3A_221 : memref<1x8192xf32, #tpu.memory_space<hbm>>)
      %slice3A_225 = vector.extract_strided_slice %get3A_219 {offsets = [0], sizes = [1], strides = [1]} : vector<16xi32> to vector<1xi32>
      %squeeze3A_226 = vector.extract %slice3A_225[0] : i32 from vector<1xi32>
      %mul3A_227 = arith.constant 16 : i32
      %mul3A_228 = arith.muli %scan3A_214, %mul3A_227 : i32
      %add3A_229 = arith.constant 0 : i32
      %add3A_230 = arith.addi %mul3A_228, %add3A_229 : i32
      %add3A_231 = arith.addi %mul3A_2, %add3A_230 : i32
      %dma_start3A_232 = arith.constant 0 : i32
      %dma_start3A_233 = tpu.memref_slice %arg4[%add3A_231, %dma_start3A_232] : memref<8192x8192xf32, #tpu.memory_space<hbm>> -> memref<1x8192xf32, #tpu.memory_space<hbm>>
      %dma_start3A_234 = arith.constant 0 : i32
      %dma_start3A_235 = tpu.memref_slice %arg3[%squeeze3A_226, %dma_start3A_234] : memref<8192x8192xf32, #tpu.memory_space<hbm>> -> memref<1x8192xf32, #tpu.memory_space<hbm>>
      tpu.enqueue_dma source(%dma_start3A_235 : memref<1x8192xf32, #tpu.memory_space<hbm>>) target(%dma_start3A_233 : memref<1x8192xf32, #tpu.memory_space<hbm>>) target_semaphore(%arg6 : memref<!tpu.dma_semaphore, #tpu.memory_space<semaphore_mem>>)
      %dma_wait3A_236 = arith.constant 0 : i32
      %dma_wait3A_237 = tpu.memref_slice %arg4[%mul3A_2, %dma_wait3A_236] : memref<8192x8192xf32, #tpu.memory_space<hbm>> -> memref<1x8192xf32, #tpu.memory_space<hbm>>
      %dma_wait3A_238 = arith.constant 0 : i32
      %dma_wait3A_239 = arith.constant 0 : i32
      %dma_wait3A_240 = tpu.memref_slice %arg3[%dma_wait3A_238, %dma_wait3A_239] : memref<8192x8192xf32, #tpu.memory_space<hbm>> -> memref<1x8192xf32, #tpu.memory_space<hbm>>
      tpu.wait_dma2 semaphore(%arg7 : memref<!tpu.dma_semaphore, #tpu.memory_space<semaphore_mem>>) src(%dma_wait3A_240 : memref<1x8192xf32, #tpu.memory_space<hbm>>) dst(%dma_wait3A_237 : memref<1x8192xf32, #tpu.memory_space<hbm>>)
      %slice3A_241 = vector.extract_strided_slice %get3A_219 {offsets = [1], sizes = [1], strides = [1]} : vector<16xi32> to vector<1xi32>
      %squeeze3A_242 = vector.extract %slice3A_241[0] : i32 from vector<1xi32>
      %mul3A_243 = arith.constant 16 : i32
      %mul3A_244 = arith.muli %scan3A_214, %mul3A_243 : i32
      %add3A_245 = arith.constant 1 : i32
      %add3A_246 = arith.addi %mul3A_244, %add3A_245 : i32
      %add3A_247 = arith.addi %mul3A_2, %add3A_246 : i32
      %dma_start3A_248 = arith.constant 0 : i32
      %dma_start3A_249 = tpu.memref_slice %arg4[%add3A_247, %dma_start3A_248] : memref<8192x8192xf32, #tpu.memory_space<hbm>> -> memref<1x8192xf32, #tpu.memory_space<hbm>>
      %dma_start3A_250 = arith.constant 0 : i32
      %dma_start3A_251 = tpu.memref_slice %arg3[%squeeze3A_242, %dma_start3A_250] : memref<8192x8192xf32, #tpu.memory_space<hbm>> -> memref<1x8192xf32, #tpu.memory_space<hbm>>
      tpu.enqueue_dma source(%dma_start3A_251 : memref<1x8192xf32, #tpu.memory_space<hbm>>) target(%dma_start3A_249 : memref<1x8192xf32, #tpu.memory_space<hbm>>) target_semaphore(%arg7 : memref<!tpu.dma_semaphore, #tpu.memory_space<semaphore_mem>>)
      %dma_wait3A_252 = arith.constant 0 : i32
      %dma_wait3A_253 = tpu.memref_slice %arg4[%mul3A_2, %dma_wait3A_252] : memref<8192x8192xf32, #tpu.memory_space<hbm>> -> memref<1x8192xf32, #tpu.memory_space<hbm>>
      %dma_wait3A_254 = arith.constant 0 : i32
      %dma_wait3A_255 = arith.constant 0 : i32
      %dma_wait3A_256 = tpu.memref_slice %arg3[%dma_wait3A_254, %dma_wait3A_255] : memref<8192x8192xf32, #tpu.memory_space<hbm>> -> memref<1x8192xf32, #tpu.memory_space<hbm>>
      tpu.wait_dma2 semaphore(%arg8 : memref<!tpu.dma_semaphore, #tpu.memory_space<semaphore_mem>>) src(%dma_wait3A_256 : memref<1x8192xf32, #tpu.memory_space<hbm>>) dst(%dma_wait3A_253 : memref<1x8192xf32, #tpu.memory_space<hbm>>)
      %slice3A_257 = vector.extract_strided_slice %get3A_219 {offsets = [2], sizes = [1], strides = [1]} : vector<16xi32> to vector<1xi32>
      %squeeze3A_258 = vector.extract %slice3A_257[0] : i32 from vector<1xi32>
      %mul3A_259 = arith.constant 16 : i32
      %mul3A_260 = arith.muli %scan3A_214, %mul3A_259 : i32
      %add3A_261 = arith.constant 2 : i32
      %add3A_262 = arith.addi %mul3A_260, %add3A_261 : i32
      %add3A_263 = arith.addi %mul3A_2, %add3A_262 : i32
      %dma_start3A_264 = arith.constant 0 : i32
      %dma_start3A_265 = tpu.memref_slice %arg4[%add3A_263, %dma_start3A_264] : memref<8192x8192xf32, #tpu.memory_space<hbm>> -> memref<1x8192xf32, #tpu.memory_space<hbm>>
      %dma_start3A_266 = arith.constant 0 : i32
      %dma_start3A_267 = tpu.memref_slice %arg3[%squeeze3A_258, %dma_start3A_266] : memref<8192x8192xf32, #tpu.memory_space<hbm>> -> memref<1x8192xf32, #tpu.memory_space<hbm>>
      tpu.enqueue_dma source(%dma_start3A_267 : memref<1x8192xf32, #tpu.memory_space<hbm>>) target(%dma_start3A_265 : memref<1x8192xf32, #tpu.memory_space<hbm>>) target_semaphore(%arg8 : memref<!tpu.dma_semaphore, #tpu.memory_space<semaphore_mem>>)
      %dma_wait3A_268 = arith.constant 0 : i32
      %dma_wait3A_269 = tpu.memref_slice %arg4[%mul3A_2, %dma_wait3A_268] : memref<8192x8192xf32, #tpu.memory_space<hbm>> -> memref<1x8192xf32, #tpu.memory_space<hbm>>
      %dma_wait3A_270 = arith.constant 0 : i32
      %dma_wait3A_271 = arith.constant 0 : i32
      %dma_wait3A_272 = tpu.memref_slice %arg3[%dma_wait3A_270, %dma_wait3A_271] : memref<8192x8192xf32, #tpu.memory_space<hbm>> -> memref<1x8192xf32, #tpu.memory_space<hbm>>
      tpu.wait_dma2 semaphore(%arg9 : memref<!tpu.dma_semaphore, #tpu.memory_space<semaphore_mem>>) src(%dma_wait3A_272 : memref<1x8192xf32, #tpu.memory_space<hbm>>) dst(%dma_wait3A_269 : memref<1x8192xf32, #tpu.memory_space<hbm>>)
      %slice3A_273 = vector.extract_strided_slice %get3A_219 {offsets = [3], sizes = [1], strides = [1]} : vector<16xi32> to vector<1xi32>
      %squeeze3A_274 = vector.extract %slice3A_273[0] : i32 from vector<1xi32>
      %mul3A_275 = arith.constant 16 : i32
      %mul3A_276 = arith.muli %scan3A_214, %mul3A_275 : i32
      %add3A_277 = arith.constant 3 : i32
      %add3A_278 = arith.addi %mul3A_276, %add3A_277 : i32
      %add3A_279 = arith.addi %mul3A_2, %add3A_278 : i32
      %dma_start3A_280 = arith.constant 0 : i32
      %dma_start3A_281 = tpu.memref_slice %arg4[%add3A_279, %dma_start3A_280] : memref<8192x8192xf32, #tpu.memory_space<hbm>> -> memref<1x8192xf32, #tpu.memory_space<hbm>>
      %dma_start3A_282 = arith.constant 0 : i32
      %dma_start3A_283 = tpu.memref_slice %arg3[%squeeze3A_274, %dma_start3A_282] : memref<8192x8192xf32, #tpu.memory_space<hbm>> -> memref<1x8192xf32, #tpu.memory_space<hbm>>
      tpu.enqueue_dma source(%dma_start3A_283 : memref<1x8192xf32, #tpu.memory_space<hbm>>) target(%dma_start3A_281 : memref<1x8192xf32, #tpu.memory_space<hbm>>) target_semaphore(%arg9 : memref<!tpu.dma_semaphore, #tpu.memory_space<semaphore_mem>>)
      %dma_wait3A_284 = arith.constant 0 : i32
      %dma_wait3A_285 = tpu.memref_slice %arg4[%mul3A_2, %dma_wait3A_284] : memref<8192x8192xf32, #tpu.memory_space<hbm>> -> memref<1x8192xf32, #tpu.memory_space<hbm>>
      %dma_wait3A_286 = arith.constant 0 : i32
      %dma_wait3A_287 = arith.constant 0 : i32
      %dma_wait3A_288 = tpu.memref_slice %arg3[%dma_wait3A_286, %dma_wait3A_287] : memref<8192x8192xf32, #tpu.memory_space<hbm>> -> memref<1x8192xf32, #tpu.memory_space<hbm>>
      tpu.wait_dma2 semaphore(%arg10 : memref<!tpu.dma_semaphore, #tpu.memory_space<semaphore_mem>>) src(%dma_wait3A_288 : memref<1x8192xf32, #tpu.memory_space<hbm>>) dst(%dma_wait3A_285 : memref<1x8192xf32, #tpu.memory_space<hbm>>)
      %slice3A_289 = vector.extract_strided_slice %get3A_219 {offsets = [4], sizes = [1], strides = [1]} : vector<16xi32> to vector<1xi32>
      %squeeze3A_290 = vector.extract %slice3A_289[0] : i32 from vector<1xi32>
      %mul3A_291 = arith.constant 16 : i32
      %mul3A_292 = arith.muli %scan3A_214, %mul3A_291 : i32
      %add3A_293 = arith.constant 4 : i32
      %add3A_294 = arith.addi %mul3A_292, %add3A_293 : i32
      %add3A_295 = arith.addi %mul3A_2, %add3A_294 : i32
      %dma_start3A_296 = arith.constant 0 : i32
      %dma_start3A_297 = tpu.memref_slice %arg4[%add3A_295, %dma_start3A_296] : memref<8192x8192xf32, #tpu.memory_space<hbm>> -> memref<1x8192xf32, #tpu.memory_space<hbm>>
      %dma_start3A_298 = arith.constant 0 : i32
      %dma_start3A_299 = tpu.memref_slice %arg3[%squeeze3A_290, %dma_start3A_298] : memref<8192x8192xf32, #tpu.memory_space<hbm>> -> memref<1x8192xf32, #tpu.memory_space<hbm>>
      tpu.enqueue_dma source(%dma_start3A_299 : memref<1x8192xf32, #tpu.memory_space<hbm>>) target(%dma_start3A_297 : memref<1x8192xf32, #tpu.memory_space<hbm>>) target_semaphore(%arg10 : memref<!tpu.dma_semaphore, #tpu.memory_space<semaphore_mem>>)
      %dma_wait3A_300 = arith.constant 0 : i32
      %dma_wait3A_301 = tpu.memref_slice %arg4[%mul3A_2, %dma_wait3A_300] : memref<8192x8192xf32, #tpu.memory_space<hbm>> -> memref<1x8192xf32, #tpu.memory_space<hbm>>
      %dma_wait3A_302 = arith.constant 0 : i32
      %dma_wait3A_303 = arith.constant 0 : i32
      %dma_wait3A_304 = tpu.memref_slice %arg3[%dma_wait3A_302, %dma_wait3A_303] : memref<8192x8192xf32, #tpu.memory_space<hbm>> -> memref<1x8192xf32, #tpu.memory_space<hbm>>
      tpu.wait_dma2 semaphore(%arg11 : memref<!tpu.dma_semaphore, #tpu.memory_space<semaphore_mem>>) src(%dma_wait3A_304 : memref<1x8192xf32, #tpu.memory_space<hbm>>) dst(%dma_wait3A_301 : memref<1x8192xf32, #tpu.memory_space<hbm>>)
      %slice3A_305 = vector.extract_strided_slice %get3A_219 {offsets = [5], sizes = [1], strides = [1]} : vector<16xi32> to vector<1xi32>
      %squeeze3A_306 = vector.extract %slice3A_305[0] : i32 from vector<1xi32>
      %mul3A_307 = arith.constant 16 : i32
      %mul3A_308 = arith.muli %scan3A_214, %mul3A_307 : i32
      %add3A_309 = arith.constant 5 : i32
      %add3A_310 = arith.addi %mul3A_308, %add3A_309 : i32
      %add3A_311 = arith.addi %mul3A_2, %add3A_310 : i32
      %dma_start3A_312 = arith.constant 0 : i32
      %dma_start3A_313 = tpu.memref_slice %arg4[%add3A_311, %dma_start3A_312] : memref<8192x8192xf32, #tpu.memory_space<hbm>> -> memref<1x8192xf32, #tpu.memory_space<hbm>>
      %dma_start3A_314 = arith.constant 0 : i32
      %dma_start3A_315 = tpu.memref_slice %arg3[%squeeze3A_306, %dma_start3A_314] : memref<8192x8192xf32, #tpu.memory_space<hbm>> -> memref<1x8192xf32, #tpu.memory_space<hbm>>
      tpu.enqueue_dma source(%dma_start3A_315 : memref<1x8192xf32, #tpu.memory_space<hbm>>) target(%dma_start3A_313 : memref<1x8192xf32, #tpu.memory_space<hbm>>) target_semaphore(%arg11 : memref<!tpu.dma_semaphore, #tpu.memory_space<semaphore_mem>>)
      %dma_wait3A_316 = arith.constant 0 : i32
      %dma_wait3A_317 = tpu.memref_slice %arg4[%mul3A_2, %dma_wait3A_316] : memref<8192x8192xf32, #tpu.memory_space<hbm>> -> memref<1x8192xf32, #tpu.memory_space<hbm>>
      %dma_wait3A_318 = arith.constant 0 : i32
      %dma_wait3A_319 = arith.constant 0 : i32
      %dma_wait3A_320 = tpu.memref_slice %arg3[%dma_wait3A_318, %dma_wait3A_319] : memref<8192x8192xf32, #tpu.memory_space<hbm>> -> memref<1x8192xf32, #tpu.memory_space<hbm>>
      tpu.wait_dma2 semaphore(%arg12 : memref<!tpu.dma_semaphore, #tpu.memory_space<semaphore_mem>>) src(%dma_wait3A_320 : memref<1x8192xf32, #tpu.memory_space<hbm>>) dst(%dma_wait3A_317 : memref<1x8192xf32, #tpu.memory_space<hbm>>)
      %slice3A_321 = vector.extract_strided_slice %get3A_219 {offsets = [6], sizes = [1], strides = [1]} : vector<16xi32> to vector<1xi32>
      %squeeze3A_322 = vector.extract %slice3A_321[0] : i32 from vector<1xi32>
      %mul3A_323 = arith.constant 16 : i32
      %mul3A_324 = arith.muli %scan3A_214, %mul3A_323 : i32
      %add3A_325 = arith.constant 6 : i32
      %add3A_326 = arith.addi %mul3A_324, %add3A_325 : i32
      %add3A_327 = arith.addi %mul3A_2, %add3A_326 : i32
      %dma_start3A_328 = arith.constant 0 : i32
      %dma_start3A_329 = tpu.memref_slice %arg4[%add3A_327, %dma_start3A_328] : memref<8192x8192xf32, #tpu.memory_space<hbm>> -> memref<1x8192xf32, #tpu.memory_space<hbm>>
      %dma_start3A_330 = arith.constant 0 : i32
      %dma_start3A_331 = tpu.memref_slice %arg3[%squeeze3A_322, %dma_start3A_330] : memref<8192x8192xf32, #tpu.memory_space<hbm>> -> memref<1x8192xf32, #tpu.memory_space<hbm>>
      tpu.enqueue_dma source(%dma_start3A_331 : memref<1x8192xf32, #tpu.memory_space<hbm>>) target(%dma_start3A_329 : memref<1x8192xf32, #tpu.memory_space<hbm>>) target_semaphore(%arg12 : memref<!tpu.dma_semaphore, #tpu.memory_space<semaphore_mem>>)
      %dma_wait3A_332 = arith.constant 0 : i32
      %dma_wait3A_333 = tpu.memref_slice %arg4[%mul3A_2, %dma_wait3A_332] : memref<8192x8192xf32, #tpu.memory_space<hbm>> -> memref<1x8192xf32, #tpu.memory_space<hbm>>
      %dma_wait3A_334 = arith.constant 0 : i32
      %dma_wait3A_335 = arith.constant 0 : i32
      %dma_wait3A_336 = tpu.memref_slice %arg3[%dma_wait3A_334, %dma_wait3A_335] : memref<8192x8192xf32, #tpu.memory_space<hbm>> -> memref<1x8192xf32, #tpu.memory_space<hbm>>
      tpu.wait_dma2 semaphore(%arg13 : memref<!tpu.dma_semaphore, #tpu.memory_space<semaphore_mem>>) src(%dma_wait3A_336 : memref<1x8192xf32, #tpu.memory_space<hbm>>) dst(%dma_wait3A_333 : memref<1x8192xf32, #tpu.memory_space<hbm>>)
      %slice3A_337 = vector.extract_strided_slice %get3A_219 {offsets = [7], sizes = [1], strides = [1]} : vector<16xi32> to vector<1xi32>
      %squeeze3A_338 = vector.extract %slice3A_337[0] : i32 from vector<1xi32>
      %mul3A_339 = arith.constant 16 : i32
      %mul3A_340 = arith.muli %scan3A_214, %mul3A_339 : i32
      %add3A_341 = arith.constant 7 : i32
      %add3A_342 = arith.addi %mul3A_340, %add3A_341 : i32
      %add3A_343 = arith.addi %mul3A_2, %add3A_342 : i32
      %dma_start3A_344 = arith.constant 0 : i32
      %dma_start3A_345 = tpu.memref_slice %arg4[%add3A_343, %dma_start3A_344] : memref<8192x8192xf32, #tpu.memory_space<hbm>> -> memref<1x8192xf32, #tpu.memory_space<hbm>>
      %dma_start3A_346 = arith.constant 0 : i32
      %dma_start3A_347 = tpu.memref_slice %arg3[%squeeze3A_338, %dma_start3A_346] : memref<8192x8192xf32, #tpu.memory_space<hbm>> -> memref<1x8192xf32, #tpu.memory_space<hbm>>
      tpu.enqueue_dma source(%dma_start3A_347 : memref<1x8192xf32, #tpu.memory_space<hbm>>) target(%dma_start3A_345 : memref<1x8192xf32, #tpu.memory_space<hbm>>) target_semaphore(%arg13 : memref<!tpu.dma_semaphore, #tpu.memory_space<semaphore_mem>>)
      %dma_wait3A_348 = arith.constant 0 : i32
      %dma_wait3A_349 = tpu.memref_slice %arg4[%mul3A_2, %dma_wait3A_348] : memref<8192x8192xf32, #tpu.memory_space<hbm>> -> memref<1x8192xf32, #tpu.memory_space<hbm>>
      %dma_wait3A_350 = arith.constant 0 : i32
      %dma_wait3A_351 = arith.constant 0 : i32
      %dma_wait3A_352 = tpu.memref_slice %arg3[%dma_wait3A_350, %dma_wait3A_351] : memref<8192x8192xf32, #tpu.memory_space<hbm>> -> memref<1x8192xf32, #tpu.memory_space<hbm>>
      tpu.wait_dma2 semaphore(%arg6 : memref<!tpu.dma_semaphore, #tpu.memory_space<semaphore_mem>>) src(%dma_wait3A_352 : memref<1x8192xf32, #tpu.memory_space<hbm>>) dst(%dma_wait3A_349 : memref<1x8192xf32, #tpu.memory_space<hbm>>)
      %slice3A_353 = vector.extract_strided_slice %get3A_219 {offsets = [8], sizes = [1], strides = [1]} : vector<16xi32> to vector<1xi32>
      %squeeze3A_354 = vector.extract %slice3A_353[0] : i32 from vector<1xi32>
      %mul3A_355 = arith.constant 16 : i32
      %mul3A_356 = arith.muli %scan3A_214, %mul3A_355 : i32
      %add3A_357 = arith.constant 8 : i32
      %add3A_358 = arith.addi %mul3A_356, %add3A_357 : i32
      %add3A_359 = arith.addi %mul3A_2, %add3A_358 : i32
      %dma_start3A_360 = arith.constant 0 : i32
      %dma_start3A_361 = tpu.memref_slice %arg4[%add3A_359, %dma_start3A_360] : memref<8192x8192xf32, #tpu.memory_space<hbm>> -> memref<1x8192xf32, #tpu.memory_space<hbm>>
      %dma_start3A_362 = arith.constant 0 : i32
      %dma_start3A_363 = tpu.memref_slice %arg3[%squeeze3A_354, %dma_start3A_362] : memref<8192x8192xf32, #tpu.memory_space<hbm>> -> memref<1x8192xf32, #tpu.memory_space<hbm>>
      tpu.enqueue_dma source(%dma_start3A_363 : memref<1x8192xf32, #tpu.memory_space<hbm>>) target(%dma_start3A_361 : memref<1x8192xf32, #tpu.memory_space<hbm>>) target_semaphore(%arg6 : memref<!tpu.dma_semaphore, #tpu.memory_space<semaphore_mem>>)
      %dma_wait3A_364 = arith.constant 0 : i32
      %dma_wait3A_365 = tpu.memref_slice %arg4[%mul3A_2, %dma_wait3A_364] : memref<8192x8192xf32, #tpu.memory_space<hbm>> -> memref<1x8192xf32, #tpu.memory_space<hbm>>
      %dma_wait3A_366 = arith.constant 0 : i32
      %dma_wait3A_367 = arith.constant 0 : i32
      %dma_wait3A_368 = tpu.memref_slice %arg3[%dma_wait3A_366, %dma_wait3A_367] : memref<8192x8192xf32, #tpu.memory_space<hbm>> -> memref<1x8192xf32, #tpu.memory_space<hbm>>
      tpu.wait_dma2 semaphore(%arg7 : memref<!tpu.dma_semaphore, #tpu.memory_space<semaphore_mem>>) src(%dma_wait3A_368 : memref<1x8192xf32, #tpu.memory_space<hbm>>) dst(%dma_wait3A_365 : memref<1x8192xf32, #tpu.memory_space<hbm>>)
      %slice3A_369 = vector.extract_strided_slice %get3A_219 {offsets = [9], sizes = [1], strides = [1]} : vector<16xi32> to vector<1xi32>
      %squeeze3A_370 = vector.extract %slice3A_369[0] : i32 from vector<1xi32>
      %mul3A_371 = arith.constant 16 : i32
      %mul3A_372 = arith.muli %scan3A_214, %mul3A_371 : i32
      %add3A_373 = arith.constant 9 : i32
      %add3A_374 = arith.addi %mul3A_372, %add3A_373 : i32
      %add3A_375 = arith.addi %mul3A_2, %add3A_374 : i32
      %dma_start3A_376 = arith.constant 0 : i32
      %dma_start3A_377 = tpu.memref_slice %arg4[%add3A_375, %dma_start3A_376] : memref<8192x8192xf32, #tpu.memory_space<hbm>> -> memref<1x8192xf32, #tpu.memory_space<hbm>>
      %dma_start3A_378 = arith.constant 0 : i32
      %dma_start3A_379 = tpu.memref_slice %arg3[%squeeze3A_370, %dma_start3A_378] : memref<8192x8192xf32, #tpu.memory_space<hbm>> -> memref<1x8192xf32, #tpu.memory_space<hbm>>
      tpu.enqueue_dma source(%dma_start3A_379 : memref<1x8192xf32, #tpu.memory_space<hbm>>) target(%dma_start3A_377 : memref<1x8192xf32, #tpu.memory_space<hbm>>) target_semaphore(%arg7 : memref<!tpu.dma_semaphore, #tpu.memory_space<semaphore_mem>>)
      %dma_wait3A_380 = arith.constant 0 : i32
      %dma_wait3A_381 = tpu.memref_slice %arg4[%mul3A_2, %dma_wait3A_380] : memref<8192x8192xf32, #tpu.memory_space<hbm>> -> memref<1x8192xf32, #tpu.memory_space<hbm>>
      %dma_wait3A_382 = arith.constant 0 : i32
      %dma_wait3A_383 = arith.constant 0 : i32
      %dma_wait3A_384 = tpu.memref_slice %arg3[%dma_wait3A_382, %dma_wait3A_383] : memref<8192x8192xf32, #tpu.memory_space<hbm>> -> memref<1x8192xf32, #tpu.memory_space<hbm>>
      tpu.wait_dma2 semaphore(%arg8 : memref<!tpu.dma_semaphore, #tpu.memory_space<semaphore_mem>>) src(%dma_wait3A_384 : memref<1x8192xf32, #tpu.memory_space<hbm>>) dst(%dma_wait3A_381 : memref<1x8192xf32, #tpu.memory_space<hbm>>)
      %slice3A_385 = vector.extract_strided_slice %get3A_219 {offsets = [10], sizes = [1], strides = [1]} : vector<16xi32> to vector<1xi32>
      %squeeze3A_386 = vector.extract %slice3A_385[0] : i32 from vector<1xi32>
      %mul3A_387 = arith.constant 16 : i32
      %mul3A_388 = arith.muli %scan3A_214, %mul3A_387 : i32
      %add3A_389 = arith.constant 10 : i32
      %add3A_390 = arith.addi %mul3A_388, %add3A_389 : i32
      %add3A_391 = arith.addi %mul3A_2, %add3A_390 : i32
      %dma_start3A_392 = arith.constant 0 : i32
      %dma_start3A_393 = tpu.memref_slice %arg4[%add3A_391, %dma_start3A_392] : memref<8192x8192xf32, #tpu.memory_space<hbm>> -> memref<1x8192xf32, #tpu.memory_space<hbm>>
      %dma_start3A_394 = arith.constant 0 : i32
      %dma_start3A_395 = tpu.memref_slice %arg3[%squeeze3A_386, %dma_start3A_394] : memref<8192x8192xf32, #tpu.memory_space<hbm>> -> memref<1x8192xf32, #tpu.memory_space<hbm>>
      tpu.enqueue_dma source(%dma_start3A_395 : memref<1x8192xf32, #tpu.memory_space<hbm>>) target(%dma_start3A_393 : memref<1x8192xf32, #tpu.memory_space<hbm>>) target_semaphore(%arg8 : memref<!tpu.dma_semaphore, #tpu.memory_space<semaphore_mem>>)
      %dma_wait3A_396 = arith.constant 0 : i32
      %dma_wait3A_397 = tpu.memref_slice %arg4[%mul3A_2, %dma_wait3A_396] : memref<8192x8192xf32, #tpu.memory_space<hbm>> -> memref<1x8192xf32, #tpu.memory_space<hbm>>
      %dma_wait3A_398 = arith.constant 0 : i32
      %dma_wait3A_399 = arith.constant 0 : i32
      %dma_wait3A_400 = tpu.memref_slice %arg3[%dma_wait3A_398, %dma_wait3A_399] : memref<8192x8192xf32, #tpu.memory_space<hbm>> -> memref<1x8192xf32, #tpu.memory_space<hbm>>
      tpu.wait_dma2 semaphore(%arg9 : memref<!tpu.dma_semaphore, #tpu.memory_space<semaphore_mem>>) src(%dma_wait3A_400 : memref<1x8192xf32, #tpu.memory_space<hbm>>) dst(%dma_wait3A_397 : memref<1x8192xf32, #tpu.memory_space<hbm>>)
      %slice3A_401 = vector.extract_strided_slice %get3A_219 {offsets = [11], sizes = [1], strides = [1]} : vector<16xi32> to vector<1xi32>
      %squeeze3A_402 = vector.extract %slice3A_401[0] : i32 from vector<1xi32>
      %mul3A_403 = arith.constant 16 : i32
      %mul3A_404 = arith.muli %scan3A_214, %mul3A_403 : i32
      %add3A_405 = arith.constant 11 : i32
      %add3A_406 = arith.addi %mul3A_404, %add3A_405 : i32
      %add3A_407 = arith.addi %mul3A_2, %add3A_406 : i32
      %dma_start3A_408 = arith.constant 0 : i32
      %dma_start3A_409 = tpu.memref_slice %arg4[%add3A_407, %dma_start3A_408] : memref<8192x8192xf32, #tpu.memory_space<hbm>> -> memref<1x8192xf32, #tpu.memory_space<hbm>>
      %dma_start3A_410 = arith.constant 0 : i32
      %dma_start3A_411 = tpu.memref_slice %arg3[%squeeze3A_402, %dma_start3A_410] : memref<8192x8192xf32, #tpu.memory_space<hbm>> -> memref<1x8192xf32, #tpu.memory_space<hbm>>
      tpu.enqueue_dma source(%dma_start3A_411 : memref<1x8192xf32, #tpu.memory_space<hbm>>) target(%dma_start3A_409 : memref<1x8192xf32, #tpu.memory_space<hbm>>) target_semaphore(%arg9 : memref<!tpu.dma_semaphore, #tpu.memory_space<semaphore_mem>>)
      %dma_wait3A_412 = arith.constant 0 : i32
      %dma_wait3A_413 = tpu.memref_slice %arg4[%mul3A_2, %dma_wait3A_412] : memref<8192x8192xf32, #tpu.memory_space<hbm>> -> memref<1x8192xf32, #tpu.memory_space<hbm>>
      %dma_wait3A_414 = arith.constant 0 : i32
      %dma_wait3A_415 = arith.constant 0 : i32
      %dma_wait3A_416 = tpu.memref_slice %arg3[%dma_wait3A_414, %dma_wait3A_415] : memref<8192x8192xf32, #tpu.memory_space<hbm>> -> memref<1x8192xf32, #tpu.memory_space<hbm>>
      tpu.wait_dma2 semaphore(%arg10 : memref<!tpu.dma_semaphore, #tpu.memory_space<semaphore_mem>>) src(%dma_wait3A_416 : memref<1x8192xf32, #tpu.memory_space<hbm>>) dst(%dma_wait3A_413 : memref<1x8192xf32, #tpu.memory_space<hbm>>)
      %slice3A_417 = vector.extract_strided_slice %get3A_219 {offsets = [12], sizes = [1], strides = [1]} : vector<16xi32> to vector<1xi32>
      %squeeze3A_418 = vector.extract %slice3A_417[0] : i32 from vector<1xi32>
      %mul3A_419 = arith.constant 16 : i32
      %mul3A_420 = arith.muli %scan3A_214, %mul3A_419 : i32
      %add3A_421 = arith.constant 12 : i32
      %add3A_422 = arith.addi %mul3A_420, %add3A_421 : i32
      %add3A_423 = arith.addi %mul3A_2, %add3A_422 : i32
      %dma_start3A_424 = arith.constant 0 : i32
      %dma_start3A_425 = tpu.memref_slice %arg4[%add3A_423, %dma_start3A_424] : memref<8192x8192xf32, #tpu.memory_space<hbm>> -> memref<1x8192xf32, #tpu.memory_space<hbm>>
      %dma_start3A_426 = arith.constant 0 : i32
      %dma_start3A_427 = tpu.memref_slice %arg3[%squeeze3A_418, %dma_start3A_426] : memref<8192x8192xf32, #tpu.memory_space<hbm>> -> memref<1x8192xf32, #tpu.memory_space<hbm>>
      tpu.enqueue_dma source(%dma_start3A_427 : memref<1x8192xf32, #tpu.memory_space<hbm>>) target(%dma_start3A_425 : memref<1x8192xf32, #tpu.memory_space<hbm>>) target_semaphore(%arg10 : memref<!tpu.dma_semaphore, #tpu.memory_space<semaphore_mem>>)
      %dma_wait3A_428 = arith.constant 0 : i32
      %dma_wait3A_429 = tpu.memref_slice %arg4[%mul3A_2, %dma_wait3A_428] : memref<8192x8192xf32, #tpu.memory_space<hbm>> -> memref<1x8192xf32, #tpu.memory_space<hbm>>
      %dma_wait3A_430 = arith.constant 0 : i32
      %dma_wait3A_431 = arith.constant 0 : i32
      %dma_wait3A_432 = tpu.memref_slice %arg3[%dma_wait3A_430, %dma_wait3A_431] : memref<8192x8192xf32, #tpu.memory_space<hbm>> -> memref<1x8192xf32, #tpu.memory_space<hbm>>
      tpu.wait_dma2 semaphore(%arg11 : memref<!tpu.dma_semaphore, #tpu.memory_space<semaphore_mem>>) src(%dma_wait3A_432 : memref<1x8192xf32, #tpu.memory_space<hbm>>) dst(%dma_wait3A_429 : memref<1x8192xf32, #tpu.memory_space<hbm>>)
      %slice3A_433 = vector.extract_strided_slice %get3A_219 {offsets = [13], sizes = [1], strides = [1]} : vector<16xi32> to vector<1xi32>
      %squeeze3A_434 = vector.extract %slice3A_433[0] : i32 from vector<1xi32>
      %mul3A_435 = arith.constant 16 : i32
      %mul3A_436 = arith.muli %scan3A_214, %mul3A_435 : i32
      %add3A_437 = arith.constant 13 : i32
      %add3A_438 = arith.addi %mul3A_436, %add3A_437 : i32
      %add3A_439 = arith.addi %mul3A_2, %add3A_438 : i32
      %dma_start3A_440 = arith.constant 0 : i32
      %dma_start3A_441 = tpu.memref_slice %arg4[%add3A_439, %dma_start3A_440] : memref<8192x8192xf32, #tpu.memory_space<hbm>> -> memref<1x8192xf32, #tpu.memory_space<hbm>>
      %dma_start3A_442 = arith.constant 0 : i32
      %dma_start3A_443 = tpu.memref_slice %arg3[%squeeze3A_434, %dma_start3A_442] : memref<8192x8192xf32, #tpu.memory_space<hbm>> -> memref<1x8192xf32, #tpu.memory_space<hbm>>
      tpu.enqueue_dma source(%dma_start3A_443 : memref<1x8192xf32, #tpu.memory_space<hbm>>) target(%dma_start3A_441 : memref<1x8192xf32, #tpu.memory_space<hbm>>) target_semaphore(%arg11 : memref<!tpu.dma_semaphore, #tpu.memory_space<semaphore_mem>>)
      %dma_wait3A_444 = arith.constant 0 : i32
      %dma_wait3A_445 = tpu.memref_slice %arg4[%mul3A_2, %dma_wait3A_444] : memref<8192x8192xf32, #tpu.memory_space<hbm>> -> memref<1x8192xf32, #tpu.memory_space<hbm>>
      %dma_wait3A_446 = arith.constant 0 : i32
      %dma_wait3A_447 = arith.constant 0 : i32
      %dma_wait3A_448 = tpu.memref_slice %arg3[%dma_wait3A_446, %dma_wait3A_447] : memref<8192x8192xf32, #tpu.memory_space<hbm>> -> memref<1x8192xf32, #tpu.memory_space<hbm>>
      tpu.wait_dma2 semaphore(%arg12 : memref<!tpu.dma_semaphore, #tpu.memory_space<semaphore_mem>>) src(%dma_wait3A_448 : memref<1x8192xf32, #tpu.memory_space<hbm>>) dst(%dma_wait3A_445 : memref<1x8192xf32, #tpu.memory_space<hbm>>)
      %slice3A_449 = vector.extract_strided_slice %get3A_219 {offsets = [14], sizes = [1], strides = [1]} : vector<16xi32> to vector<1xi32>
      %squeeze3A_450 = vector.extract %slice3A_449[0] : i32 from vector<1xi32>
      %mul3A_451 = arith.constant 16 : i32
      %mul3A_452 = arith.muli %scan3A_214, %mul3A_451 : i32
      %add3A_453 = arith.constant 14 : i32
      %add3A_454 = arith.addi %mul3A_452, %add3A_453 : i32
      %add3A_455 = arith.addi %mul3A_2, %add3A_454 : i32
      %dma_start3A_456 = arith.constant 0 : i32
      %dma_start3A_457 = tpu.memref_slice %arg4[%add3A_455, %dma_start3A_456] : memref<8192x8192xf32, #tpu.memory_space<hbm>> -> memref<1x8192xf32, #tpu.memory_space<hbm>>
      %dma_start3A_458 = arith.constant 0 : i32
      %dma_start3A_459 = tpu.memref_slice %arg3[%squeeze3A_450, %dma_start3A_458] : memref<8192x8192xf32, #tpu.memory_space<hbm>> -> memref<1x8192xf32, #tpu.memory_space<hbm>>
      tpu.enqueue_dma source(%dma_start3A_459 : memref<1x8192xf32, #tpu.memory_space<hbm>>) target(%dma_start3A_457 : memref<1x8192xf32, #tpu.memory_space<hbm>>) target_semaphore(%arg12 : memref<!tpu.dma_semaphore, #tpu.memory_space<semaphore_mem>>)
      %dma_wait3A_460 = arith.constant 0 : i32
      %dma_wait3A_461 = tpu.memref_slice %arg4[%mul3A_2, %dma_wait3A_460] : memref<8192x8192xf32, #tpu.memory_space<hbm>> -> memref<1x8192xf32, #tpu.memory_space<hbm>>
      %dma_wait3A_462 = arith.constant 0 : i32
      %dma_wait3A_463 = arith.constant 0 : i32
      %dma_wait3A_464 = tpu.memref_slice %arg3[%dma_wait3A_462, %dma_wait3A_463] : memref<8192x8192xf32, #tpu.memory_space<hbm>> -> memref<1x8192xf32, #tpu.memory_space<hbm>>
      tpu.wait_dma2 semaphore(%arg13 : memref<!tpu.dma_semaphore, #tpu.memory_space<semaphore_mem>>) src(%dma_wait3A_464 : memref<1x8192xf32, #tpu.memory_space<hbm>>) dst(%dma_wait3A_461 : memref<1x8192xf32, #tpu.memory_space<hbm>>)
      %slice3A_465 = vector.extract_strided_slice %get3A_219 {offsets = [15], sizes = [1], strides = [1]} : vector<16xi32> to vector<1xi32>
      %squeeze3A_466 = vector.extract %slice3A_465[0] : i32 from vector<1xi32>
      %mul3A_467 = arith.constant 16 : i32
      %mul3A_468 = arith.muli %scan3A_214, %mul3A_467 : i32
      %add3A_469 = arith.constant 15 : i32
      %add3A_470 = arith.addi %mul3A_468, %add3A_469 : i32
      %add3A_471 = arith.addi %mul3A_2, %add3A_470 : i32
      %dma_start3A_472 = arith.constant 0 : i32
      %dma_start3A_473 = tpu.memref_slice %arg4[%add3A_471, %dma_start3A_472] : memref<8192x8192xf32, #tpu.memory_space<hbm>> -> memref<1x8192xf32, #tpu.memory_space<hbm>>
      %dma_start3A_474 = arith.constant 0 : i32
      %dma_start3A_475 = tpu.memref_slice %arg3[%squeeze3A_466, %dma_start3A_474] : memref<8192x8192xf32, #tpu.memory_space<hbm>> -> memref<1x8192xf32, #tpu.memory_space<hbm>>
      tpu.enqueue_dma source(%dma_start3A_475 : memref<1x8192xf32, #tpu.memory_space<hbm>>) target(%dma_start3A_473 : memref<1x8192xf32, #tpu.memory_space<hbm>>) target_semaphore(%arg13 : memref<!tpu.dma_semaphore, #tpu.memory_space<semaphore_mem>>)
    }
    %scan3A_173 = arith.constant 15 : i32
    %dma_wait3A_174 = arith.constant 0 : i32
    %dma_wait3A_175 = tpu.memref_slice %arg4[%mul3A_2, %dma_wait3A_174] : memref<8192x8192xf32, #tpu.memory_space<hbm>> -> memref<1x8192xf32, #tpu.memory_space<hbm>>
    %dma_wait3A_176 = arith.constant 0 : i32
    %dma_wait3A_177 = arith.constant 0 : i32
    %dma_wait3A_178 = tpu.memref_slice %arg3[%dma_wait3A_176, %dma_wait3A_177] : memref<8192x8192xf32, #tpu.memory_space<hbm>> -> memref<1x8192xf32, #tpu.memory_space<hbm>>
    tpu.wait_dma2 semaphore(%arg6 : memref<!tpu.dma_semaphore, #tpu.memory_space<semaphore_mem>>) src(%dma_wait3A_178 : memref<1x8192xf32, #tpu.memory_space<hbm>>) dst(%dma_wait3A_175 : memref<1x8192xf32, #tpu.memory_space<hbm>>)
    %dma_wait3A_179 = arith.constant 0 : i32
    %dma_wait3A_180 = tpu.memref_slice %arg4[%mul3A_2, %dma_wait3A_179] : memref<8192x8192xf32, #tpu.memory_space<hbm>> -> memref<1x8192xf32, #tpu.memory_space<hbm>>
    %dma_wait3A_181 = arith.constant 0 : i32
    %dma_wait3A_182 = arith.constant 0 : i32
    %dma_wait3A_183 = tpu.memref_slice %arg3[%dma_wait3A_181, %dma_wait3A_182] : memref<8192x8192xf32, #tpu.memory_space<hbm>> -> memref<1x8192xf32, #tpu.memory_space<hbm>>
    tpu.wait_dma2 semaphore(%arg7 : memref<!tpu.dma_semaphore, #tpu.memory_space<semaphore_mem>>) src(%dma_wait3A_183 : memref<1x8192xf32, #tpu.memory_space<hbm>>) dst(%dma_wait3A_180 : memref<1x8192xf32, #tpu.memory_space<hbm>>)
    %dma_wait3A_184 = arith.constant 0 : i32
    %dma_wait3A_185 = tpu.memref_slice %arg4[%mul3A_2, %dma_wait3A_184] : memref<8192x8192xf32, #tpu.memory_space<hbm>> -> memref<1x8192xf32, #tpu.memory_space<hbm>>
    %dma_wait3A_186 = arith.constant 0 : i32
    %dma_wait3A_187 = arith.constant 0 : i32
    %dma_wait3A_188 = tpu.memref_slice %arg3[%dma_wait3A_186, %dma_wait3A_187] : memref<8192x8192xf32, #tpu.memory_space<hbm>> -> memref<1x8192xf32, #tpu.memory_space<hbm>>
    tpu.wait_dma2 semaphore(%arg8 : memref<!tpu.dma_semaphore, #tpu.memory_space<semaphore_mem>>) src(%dma_wait3A_188 : memref<1x8192xf32, #tpu.memory_space<hbm>>) dst(%dma_wait3A_185 : memref<1x8192xf32, #tpu.memory_space<hbm>>)
    %dma_wait3A_189 = arith.constant 0 : i32
    %dma_wait3A_190 = tpu.memref_slice %arg4[%mul3A_2, %dma_wait3A_189] : memref<8192x8192xf32, #tpu.memory_space<hbm>> -> memref<1x8192xf32, #tpu.memory_space<hbm>>
    %dma_wait3A_191 = arith.constant 0 : i32
    %dma_wait3A_192 = arith.constant 0 : i32
    %dma_wait3A_193 = tpu.memref_slice %arg3[%dma_wait3A_191, %dma_wait3A_192] : memref<8192x8192xf32, #tpu.memory_space<hbm>> -> memref<1x8192xf32, #tpu.memory_space<hbm>>
    tpu.wait_dma2 semaphore(%arg9 : memref<!tpu.dma_semaphore, #tpu.memory_space<semaphore_mem>>) src(%dma_wait3A_193 : memref<1x8192xf32, #tpu.memory_space<hbm>>) dst(%dma_wait3A_190 : memref<1x8192xf32, #tpu.memory_space<hbm>>)
    %dma_wait3A_194 = arith.constant 0 : i32
    %dma_wait3A_195 = tpu.memref_slice %arg4[%mul3A_2, %dma_wait3A_194] : memref<8192x8192xf32, #tpu.memory_space<hbm>> -> memref<1x8192xf32, #tpu.memory_space<hbm>>
    %dma_wait3A_196 = arith.constant 0 : i32
    %dma_wait3A_197 = arith.constant 0 : i32
    %dma_wait3A_198 = tpu.memref_slice %arg3[%dma_wait3A_196, %dma_wait3A_197] : memref<8192x8192xf32, #tpu.memory_space<hbm>> -> memref<1x8192xf32, #tpu.memory_space<hbm>>
    tpu.wait_dma2 semaphore(%arg10 : memref<!tpu.dma_semaphore, #tpu.memory_space<semaphore_mem>>) src(%dma_wait3A_198 : memref<1x8192xf32, #tpu.memory_space<hbm>>) dst(%dma_wait3A_195 : memref<1x8192xf32, #tpu.memory_space<hbm>>)
    %dma_wait3A_199 = arith.constant 0 : i32
    %dma_wait3A_200 = tpu.memref_slice %arg4[%mul3A_2, %dma_wait3A_199] : memref<8192x8192xf32, #tpu.memory_space<hbm>> -> memref<1x8192xf32, #tpu.memory_space<hbm>>
    %dma_wait3A_201 = arith.constant 0 : i32
    %dma_wait3A_202 = arith.constant 0 : i32
    %dma_wait3A_203 = tpu.memref_slice %arg3[%dma_wait3A_201, %dma_wait3A_202] : memref<8192x8192xf32, #tpu.memory_space<hbm>> -> memref<1x8192xf32, #tpu.memory_space<hbm>>
    tpu.wait_dma2 semaphore(%arg11 : memref<!tpu.dma_semaphore, #tpu.memory_space<semaphore_mem>>) src(%dma_wait3A_203 : memref<1x8192xf32, #tpu.memory_space<hbm>>) dst(%dma_wait3A_200 : memref<1x8192xf32, #tpu.memory_space<hbm>>)
    %dma_wait3A_204 = arith.constant 0 : i32
    %dma_wait3A_205 = tpu.memref_slice %arg4[%mul3A_2, %dma_wait3A_204] : memref<8192x8192xf32, #tpu.memory_space<hbm>> -> memref<1x8192xf32, #tpu.memory_space<hbm>>
    %dma_wait3A_206 = arith.constant 0 : i32
    %dma_wait3A_207 = arith.constant 0 : i32
    %dma_wait3A_208 = tpu.memref_slice %arg3[%dma_wait3A_206, %dma_wait3A_207] : memref<8192x8192xf32, #tpu.memory_space<hbm>> -> memref<1x8192xf32, #tpu.memory_space<hbm>>
    tpu.wait_dma2 semaphore(%arg12 : memref<!tpu.dma_semaphore, #tpu.memory_space<semaphore_mem>>) src(%dma_wait3A_208 : memref<1x8192xf32, #tpu.memory_space<hbm>>) dst(%dma_wait3A_205 : memref<1x8192xf32, #tpu.memory_space<hbm>>)
    %dma_wait3A_209 = arith.constant 0 : i32
    %dma_wait3A_210 = tpu.memref_slice %arg4[%mul3A_2, %dma_wait3A_209] : memref<8192x8192xf32, #tpu.memory_space<hbm>> -> memref<1x8192xf32, #tpu.memory_space<hbm>>
    %dma_wait3A_211 = arith.constant 0 : i32
    %dma_wait3A_212 = arith.constant 0 : i32
    %dma_wait3A_213 = tpu.memref_slice %arg3[%dma_wait3A_211, %dma_wait3A_212] : memref<8192x8192xf32, #tpu.memory_space<hbm>> -> memref<1x8192xf32, #tpu.memory_space<hbm>>
    tpu.wait_dma2 semaphore(%arg13 : memref<!tpu.dma_semaphore, #tpu.memory_space<semaphore_mem>>) src(%dma_wait3A_213 : memref<1x8192xf32, #tpu.memory_space<hbm>>) dst(%dma_wait3A_210 : memref<1x8192xf32, #tpu.memory_space<hbm>>)
    return
  }
}

</mosaic_0001>

<sc_bundles>
// kernel: kernel.3.cloned.1.call-start
scs
__scs_entry_jumppad:
0x0: {  	(pc) =	sbr.rel $0x88, $3  }
0x1: {  	(tag) =	ssettag $0x0;
	lr =	simm.s32 $0x1  }
0x2: {  	[smem:$0x3F9F] =	sst lr;
	_ =	strace $0xD0000000  }
0x3: {  	_ = 	snop  }
0x4: {  	_ = 	snop  }
0x5: {  	_ = 	snop  }
0x6: {  	_ = 	snop  }
0x7: {  	_ = 	snop  }
__scs_overlays_trampoline_lowered:
0x8: {  	[smem:$0x3FAE] =	sst s0  }
0x9: {  	[smem:$0x3FAF] =	sst s1  }
0xa: {  	[smem:$0x3FB0] =	sst s2  }
0xb: {  	[smem:$0x3FB1] =	sst s3  }
0xc: {  	[smem:$0x3FB2] =	sst s4  }
0xd: {  	[smem:$0x3FB3] =	sst s5  }
0xe: {  	[smem:$0x3FB4] =	sst s6  }
0xf: {  	[smem:$0x3FB5] =	sst s7  }
0x10: {  	[smem:$0x3FB6] =	sst s8  }
0x11: {  	[smem:$0x3FB7] =	sst s9;
	s0 =	simm.s32 @!p0 $0x0  }
0x12: {  	s1 =	sld [smem:$0x3F9D];
	s0 =	simm.s32 @p0 $0x1  }
0x13: {  	[smem:$0x3FB8] =	sst s0;
	s0 =	simm.s32 @!p1 $0x0  }
0x14: {  	s2 =	sld [smem:$0x3F9C];
	s0 =	simm.s32 @p1 $0x1  }
0x15: {  	[smem:$0x3FB9] =	sst s0;
	s0 =	simm.s32 @!p2 $0x0  }
0x16: {  	s3 =	sld [smem:$0x3FDB];
	s0 =	simm.s32 @p2 $0x1  }
0x17: {  	s4 =	simm.s32 $0x1BF5;
	[smem:$0x3FBB] =	sst s0  }
0x18: {  	s0 =	sld [smem:$0x3F9E];
	_ =	swait.ge [sflag:s4], $0x0  }
0x19: {  	s7 =	sld [smem:$0x3F9F]  }
0x1a: {  	s8 =	sadd.s32 $0xFFFFE003, lr  }
0x1b: {  	s9 =	sadd.s32 $0xFFFFFEF7, lr;
	s5 =	simm.s32 $0xFFFFFFFF;
	p2 =	slt.u32 s8, $0xFFFFF086  }
0x1c: {  	p1 =	slt.u32 s9, $0xF7A;
	s5 =	simm.s32 @!p2 $0x0  }
0x1d: {  	s5 =	simm.s32 @p1 $0x1;
	p0 =	seq.s32 s7, s2  }
0x1e: {  	s7 =	smul.u32 @!p0 $0xF7A, s2;
	p2 =	seq.s32 @!p0 s5, $0x0  }
0x1f: {  	s9 =	smul.u32 $0xF7A, s1;
	s8 =	simm.s32 @!p0 $0x1BF5;
	p2 =	por !p2, p0  }
0x20: {  	[sflag:s8] =	ssyncset.s32 @!p0 $0xFFFFF086;
	s6 =	sadd.s32 @!p0 s3, s7;
	s7 =	simm.s32 @!p0 $0x108  }
0x21: {  	s3 =	sadd.s32 s3, s9;
	s6 =	sadd.s32 @!p0 $0x88, s6;
	s7 =	simm.s32 @p2 $0x1082  }
0x22: {  	[simem:s7], [sflag:s8] =	dma.local @!p0 [hbm:s6], $0xF7A  }
0x23: {  	s9 =	sor.u32 $0xD0000000, s2;
	s6 =	simm.s32 $0x108;
	_ =	swait.ge @!p0 [sflag:s8], $0x0  }
0x24: {  	s3 =	sadd.s32 $0x88, s3;
	s6 =	simm.s32 @!p1 $0x1082;
	[sflag:s4] =	ssyncset.s32 $0xFFFFF086  }
0x25: {  	[simem:s6], [sflag:s4] =	dma.local [hbm:s3], $0xF7A  }
0x26: {  	[smem:$0x3F9F] =	sst s1;
	(tag) =	ssettag s2;
	_ =	strace s9  }
0x27: {  	s1 =	sld [smem:$0x3FAF]  }
0x28: {  	s2 =	sld [smem:$0x3FB0]  }
0x29: {  	s4 =	sld [smem:$0x3FB2]  }
0x2a: {  	p0 =	seq.s32 s5, $0x0;
	s5 =	sld [smem:$0x3FB3]  }
0x2b: {  	s6 =	sld [smem:$0x3FB4]  }
0x2c: {  	s7 =	sld [smem:$0x3FB5]  }
0x2d: {  	s3 =	simm.s32 $0x108;
	s8 =	sld [smem:$0x3FB6]  }
0x2e: {  	s3 =	simm.s32 @!p0 $0x1082;
	s9 =	sld [smem:$0x3FB7]  }
0x2f: {  	lr =	sadd.s32 s0, s3;
	s0 =	sld [smem:$0x3FAE]  }
0x30: {  	s3 =	sld [smem:$0x3FB1]  }
0x31: {  	[smem:$0x3FBA] =	sst s10  }
0x32: {  	s10 =	sld [smem:$0x3FB8];
	_ =	sdelay $0x3  }
0x33: {  	p0 =	seq.s32 s10, $0x1;
	s10 =	sld [smem:$0x3FBA];
	_ =	sdelay $0x3  }
0x34: {  	[smem:$0x3FBA] =	sst s10  }
0x35: {  	s10 =	sld [smem:$0x3FB9];
	_ =	sdelay $0x3  }
0x36: {  	p1 =	seq.s32 s10, $0x1;
	s10 =	sld [smem:$0x3FBA];
	_ =	sdelay $0x3  }
0x37: {  	[smem:$0x3FBA] =	sst s10  }
0x38: {  	s10 =	sld [smem:$0x3FBB]  }
0x39: {  	_ = 	snop;
	(pc) =	sbr.ind lr, $3  }
0x3a: {  	_ = 	snop  }
0x3b: {  	_ = 	snop  }
0x3c: {  	p2 =	seq.s32 s10, $0x1;
	s10 =	sld [smem:$0x3FBA]  }
0x3d: {  	_ =	shalt  }
0x3e: {  	_ =	shalt  }
0x3f: {  	_ =	shalt  }
0x40: {  	_ =	shalt  }
0x41: {  	_ =	shalt  }
0x42: {  	_ =	shalt  }
0x43: {  	_ =	shalt  }
0x44: {  	_ =	shalt  }
0x45: {  	_ =	shalt  }
0x46: {  	_ =	shalt  }
0x47: {  	_ =	shalt  }
0x48: {  	_ =	shalt  }
0x49: {  	_ =	shalt  }
0x4a: {  	_ =	shalt  }
0x4b: {  	_ =	shalt  }
0x4c: {  	_ =	shalt  }
0x4d: {  	_ =	shalt  }
0x4e: {  	_ =	shalt  }
0x4f: {  	_ =	shalt  }
0x50: {  	_ =	shalt  }
0x51: {  	_ =	shalt  }
0x52: {  	_ =	shalt  }
0x53: {  	_ =	shalt  }
0x54: {  	_ =	shalt  }
0x55: {  	_ =	shalt  }
0x56: {  	_ =	shalt  }
0x57: {  	_ =	shalt  }
0x58: {  	_ =	shalt  }
0x59: {  	_ =	shalt  }
0x5a: {  	_ =	shalt  }
0x5b: {  	_ =	shalt  }
0x5c: {  	_ =	shalt  }
0x5d: {  	_ =	shalt  }
0x5e: {  	_ =	shalt  }
0x5f: {  	_ =	shalt  }
0x60: {  	_ =	shalt  }
0x61: {  	_ =	shalt  }
0x62: {  	_ =	shalt  }
0x63: {  	_ =	shalt  }
0x64: {  	_ =	shalt  }
0x65: {  	_ =	shalt  }
0x66: {  	_ =	shalt  }
0x67: {  	_ =	shalt  }
0x68: {  	_ =	shalt  }
0x69: {  	_ =	shalt  }
0x6a: {  	_ =	shalt  }
0x6b: {  	_ =	shalt  }
0x6c: {  	_ =	shalt  }
0x6d: {  	_ =	shalt  }
0x6e: {  	_ =	shalt  }
0x6f: {  	_ =	shalt  }
0x70: {  	_ =	shalt  }
0x71: {  	_ =	shalt  }
0x72: {  	_ =	shalt  }
0x73: {  	_ =	shalt  }
0x74: {  	_ =	shalt  }
0x75: {  	_ =	shalt  }
0x76: {  	_ =	shalt  }
0x77: {  	_ =	shalt  }
0x78: {  	_ =	shalt  }
0x79: {  	_ =	shalt  }
0x7a: {  	_ =	shalt  }
0x7b: {  	_ =	shalt  }
0x7c: {  	_ =	shalt  }
0x7d: {  	_ =	shalt  }
0x7e: {  	_ =	shalt  }
0x7f: {  	_ =	shalt  }
0x80: {  	_ =	shalt  }
0x81: {  	_ =	shalt  }
0x82: {  	_ =	shalt  }
0x83: {  	_ =	shalt  }
0x84: {  	_ =	shalt  }
0x85: {  	_ =	shalt  }
0x86: {  	_ =	shalt  }
0x87: {  	_ =	shalt  }
.Lfunc_end0:
.L_simem_size_0:
called_computation_lowered:
.L_overlay_start_0:
0x88: {  	s2 =	sld [smem:$0x3FD9]  }
0x89: {  	s3 =	sld [smem:$0x3FFE];
	_ =	sdelay $0x1  }
0x8a: {  	s1 =	srdreg.scid  }
0x8b: {  	s0 =	sand.u32 $0x1, s1  }
0x8c: {  	s17 =	sshll.u32 s0, $0xA;
	s2 =	sadd.s32 s3, s2  }
0x8d: {  	s2 =	sadd.s32 s2, s17  }
0x8e: {  	[smem:$0x3FC6] =	sst s2  }
0x8f: {  	_ = 	snop  }
0x90: {  	s2 =	sld [smem:$0x3FC8]  }
0x91: {  	s18 =	sld [smem:$0x3FD0];
	(tm) =	ssettm $0x1  }
0x92: {  	s4 =	sld [smem:$0x3FFB];
	_ =	sdelay $0x3  }
0x93: {  	_ =	strace s4  }
0x94: {  	s4 =	sld [smem:$0x3FFC];
	_ =	sdelay $0x3  }
0x95: {  	_ =	strace s4  }
0x96: {  	s4 =	sld [smem:$0x3FFD];
	_ =	sdelay $0x3  }
0x97: {  	_ =	strace s4  }
0x98: {  	_ =	strace $0x8FFFFFFF  }
0x99: {  	s19 =	sld [smem:$0x3FDB];
	_ =	sdelay $0x1  }
0x9a: {  	s5 =	simm.s32 $_scs_section_size  }
0x9b: {  	s6 =	simm.s32 $_size__tile_overlayer_lowered;
	s7 =	simm.s32 $_tile_overlayer_lowered  }
0x9c: {  	s22 =	simm.s32 $0x1BFF;
	s21 =	sshll.u32 s7, $0x1;
	s4 =	sadd.s32 s5, s19  }
0x9d: {  	s8 =	simm.s32 $0x0;
	s20 =	sshll.u32 s6, $0x1;
	s6 =	sadd.s32 s21, s4  }
0x9e: {  	[timem:s8], [sflag:s22] =	dma.local [hbm:s6], s20  }
0x9f: {  	_ =	swait.ge [sflag:s22], s20  }
0xa0: {  	s5 =	ssub.s32 $0x0, s20;
	[sflag:s22] =	ssyncset.done $0x0  }
0xa1: {  	[sflag:s22] =	ssyncadd.s32 s5;
	_ =	sdelay $0x1  }
0xa2: {  	s23 =	simm.s32 $0x1B8B  }
0xa3: {  	_ =	swait.ge [sflag:s23], $0x1  }
0xa4: {  	[sflag:s23] =	ssyncset.done $0x0  }
0xa5: {  	s25 =	simm.s32 $0x1B8E;
	s24 =	sld [smem:$0x3FFE];
	[sflag:s23] =	ssyncadd.s32 $0xFFFFFFFF  }
0xa6: {  	s26 =	simm.s32 $execute0_lowered;
	[smem:$0x3FD2] =	sst s25  }
0xa7: {  	s6 =	sshll.u32 s26, $0x1;
	_ =	strace $0x80000046;
	[dreg:$0x1] =	wrdreg $0xFFFFFFFF  }
0xa8: {  	s28 =	simm.s32 $_size_execute0_lowered;
	s4 =	sadd.s32 s4, s6;
	[dreg:$0x0] =	wrdreg $0x0  }
0xa9: {  	s6 =	sshll.u32 s28, $0x1;
	[dreg:$0x2] =	wrdreg s4  }
0xaa: {  	[dreg:$0x3] =	wrdreg s6  }
0xab: {  	[dreg:$0x4] =	wrdreg $0xC0  }
0xac: {  	_ =	task [dreg:s8], $0x5FFFF  }
0xad: {  	[dreg:$0x1] =	wrdreg $0xFFFFFFFF  }
0xae: {  	[dreg:$0x0] =	wrdreg $0x60  }
0xaf: {  	[dreg:$0x2] =	wrdreg s24  }
0xb0: {  	[dreg:$0x3] =	wrdreg s2  }
0xb1: {  	[dreg:$0x4] =	wrdreg s18  }
0xb2: {  	[dreg:$0x5] =	wrdreg $0x9  }
0xb3: {  	_ =	task.clear_ibuf [dreg:s8], $0x6FFFF;
	_ =	strace $0x90000046  }
0xb4: {  	s29 =	simm.s32 $0x9;
	_ =	strace $0x80000048  }
0xb5: {  	_ =	swait.ge [sflag:s29], $0x1  }
0xb6: {  	[sflag:s29] =	ssyncadd.s32 $0xFFFFFFFF  }
0xb7: {  	_ =	strace $0x90000048  }
0xb8: {  	_ =	sfence  }
0xb9: {  	s30 =	sld [smem:$0x0];
	_ =	sdelay $0x2  }
0xba: {  	s31 =	sshll.u32 s1, $0xD;
	s1 =	sshrl.u32 s1, $0x2  }
0xbb: {  	s3 =	sand.u32 $0x4000, s31;
	s1 =	sadd.s32 s1, s30  }
0xbc: {  	s0 =	sor.u32 s3, s0;
	s1 =	sshll.u32 s1, $0x11  }
0xbd: {  	s0 =	sor.u32 s1, s0  }
0xbe: {  	s0 =	sadd.s32 $0x8F2B, s0  }
0xbf: {  	[sflag:s0] =	ssyncadd.remote.s32 $0x1  }
0xc0: {  	_ =	sfence.sel $0xFFFF  }
0xc1: {  	[dreg:$0x0] =	wrdreg $0xFFFFFFFF;
	(pc) =	sbr.abs _section_cstart, $3  }
0xc2: {  	[dreg:$0x1] =	wrdreg $0xFFFFFFFF  }
0xc3: {  	_ =	task.clear_ibuf [dreg:s8], $0x2FFFF;
	_ =	strace $0x9FFFFFFF  }
0xc4: {  	(tm) =	ssettm $0x7FFFFFFF  }
0xc5: {  	_ =	shalt  }
tec
execute0_lowered:
.L_overlay_start_1:
0x0: {  	(tag) =	ssettag $0x1  }
0x1: {  	s1 =	srdreg.scid;
	s7 =	stileid.u32  }
0x2: {  	s0 =	rddreg [dreg:$0x0];
	s1 =	sand.u32 $0x1, s1;
	s3 =	sshll.u32 s7, $0x1  }
0x3: {  	s4 =	rddreg [dreg:$0x2];
	s3 =	sor.u32 s1, s3  }
0x4: {  	s8 =	simm.s32 $0x0;
	s6 =	sshll.u32 s3, $0x7;
	s3 =	sshll.u32 s3, $0x12  }
0x5: {  	[smem:$0x7FF] =	sst s8;
	s3 =	sadd.s32 s4, s3  }
0x6: {  	_ =	strace $0x80000047;
	s10 =	sadd.s32 $0x10, s3;
	[dreg:$0xf] =	wrdreg s3  }
0x7: {  	s11 =	sadd.s32 $0x20, s3;
	[dreg:$0x10] =	wrdreg s10  }
0x8: {  	s12 =	sadd.s32 $0x30, s3;
	[dreg:$0x11] =	wrdreg s11  }
0x9: {  	s13 =	sadd.s32 $0x40, s3;
	[dreg:$0x12] =	wrdreg s12  }
0xa: {  	s5 =	sshll.u32 s7, $0x9;
	s14 =	sadd.s32 $0x50, s3;
	[dreg:$0x13] =	wrdreg s13  }
0xb: {  	s17 =	sshll.u32 s7, $0x13;
	s15 =	sadd.s32 $0x60, s3;
	[dreg:$0x14] =	wrdreg s14  }
0xc: {  	s5 =	sand.u32 $0x1800, s5;
	s16 =	sadd.s32 $0x70, s3;
	[dreg:$0x15] =	wrdreg s15  }
0xd: {  	s8 =	ssub.s32 $0x2, s1;
	s18 =	sadd.s32 $0x2000, s3;
	[dreg:$0x16] =	wrdreg s16  }
0xe: {  	s1 =	sshll.u32 s1, $0x12;
	s19 =	sadd.s32 $0x2010, s3;
	[dreg:$0x17] =	wrdreg s18  }
0xf: {  	s9 =	sshrl.u32 s8, $0x1;
	s20 =	sadd.s32 $0x2020, s3;
	[dreg:$0x18] =	wrdreg s19  }
0x10: {  	s6 =	sand.u32 $0x380, s6;
	s21 =	sadd.s32 $0x2030, s3;
	[dreg:$0x19] =	wrdreg s20  }
0x11: {  	s5 =	sor.u32 s6, s5;
	s22 =	sadd.s32 $0x2040, s3;
	[dreg:$0x1a] =	wrdreg s21  }
0x12: {  	s23 =	sadd.s32 $0x2050, s3;
	s5 =	sshrl.u32 s5, $0x3;
	[dreg:$0x1b] =	wrdreg s22  }
0x13: {  	s25 =	sadd.s32 $0x2060, s3;
	[dreg:$0x1c] =	wrdreg s23;
	s0 =	sadd.s32 s5, s0  }
0x14: {  	s26 =	sadd.s32 $0x2070, s3;
	[dreg:$0x1d] =	wrdreg s25;
	s0 =	sadd.s32 $0x400, s0  }
0x15: {  	s5 =	ssub.s32 s8, s9;
	[dreg:$0xe] =	wrdreg s0;
	s0 =	sor.u32 s1, s17  }
0x16: {  	[dreg:$0x1e] =	wrdreg s26;
	s28 =	smax.u32 s5, $0x1;
	s0 =	sadd.s32 s0, s4  }
0x17: {  	s29 =	simm.s32 $0x3;
	[dreg:$0x1f] =	wrdreg s28;
	s24 =	sadd.s32 $0x4000, s0  }
0x18: {  	s30 =	simm.s32 $0x4;
	s0 =	sadd.s32 $0x6000, s0;
	[dreg:$0x4] =	wrdreg s24  }
0x19: {  	s31 =	simm.s32 $0x5;
	s4 =	simm.s32 $0x0;
	[dreg:$0x5] =	wrdreg s0  }
.LBB2_1:
0x1a: {  	s0 =	simm.s32 $0x0  }
0x1b: {  	s3 =	rddreg [dreg:$0xe];
	s5 =	simm.s32 $0x400;
	s22 =	simm.s32 $0x80  }
0x1c: {  	[tilespmem:s0], [sflag:$0x9] =	stream.strided.gather [hbm4b:s3+s22], $0x100, s5, s22, $0x38;
	[tilespmem:$0x100] =	vst v63  }
0x1d: {  	[smem:$0x7FD] =	sst s4;
	s5 =	simm.s32 $0x9  }
0x1e: {  	_ =	swait.ge [sflag:s5], $0x100  }
0x1f: {  	[sflag:s5] =	ssyncset.done $0x0  }
0x20: {  	[sflag:s5] =	ssyncadd.s32 $0xFFFFFF00  }
0x21: {  	v0 =	vld [tilespmem:$0x0];
	_ =	sdelay $0x4  }
0x22: {  	(v2sf) =	vpush v0, $0x0;
	_ =	sdelay $0xe  }
0x23: {  	s6 =	spop (v2sf)  }
0x24: {  	s7 =	sshll.u32 s6, $0xD;
	s0 =	sshll.u32 s6, $0x7  }
0x25: {  	s4 =	sand.u32 $0xFFFF0000, s7;
	s0 =	sand.u32 $0x380, s0  }
0x26: {  	s8 =	stileid.u32;
	s28 =	simm.s32 $0x1;
	s0 =	sor.u32 s0, s4  }
0x27: {  	s23 =	rddreg [dreg:$0x1];
	s4 =	sshll.u32 s8, $0x6;
	s0 =	sshrl.u32 s0, $0x3  }
0x28: {  	s10 =	rddreg [dreg:$0xf];
	s8 =	sor.u32 $0x1C01, s4;
	s9 =	sadd.s32 s23, s0  }
0x29: {  	[hbm:s10@s22], [sflag:s8] =	dma.strided [hbm:s9@s22], $0x400, s28, $0x10   }
0x2a: {  	(v2sf) =	vpush v0, $0x1;
	_ =	sdelay $0xe  }
0x2b: {  	s5 =	spop (v2sf)  }
0x2c: {  	s6 =	sshll.u32 s5, $0xD;
	s5 =	sshll.u32 s5, $0x7  }
0x2d: {  	s6 =	sand.u32 $0xFFFF0000, s6;
	s5 =	sand.u32 $0x380, s5  }
0x2e: {  	s5 =	sor.u32 s5, s6  }
0x2f: {  	s5 =	sshrl.u32 s5, $0x3  }
0x30: {  	s25 =	sor.u32 $0x1C02, s4;
	s0 =	rddreg [dreg:$0x10];
	s5 =	sadd.s32 s23, s5  }
0x31: {  	[hbm:s0@s22], [sflag:s25] =	dma.strided [hbm:s5@s22], $0x400, s28, $0x10   }
0x32: {  	(v2sf) =	vpush v0, $0x2;
	_ =	sdelay $0xe  }
0x33: {  	s5 =	spop (v2sf)  }
0x34: {  	s11 =	sshll.u32 s5, $0xD;
	s5 =	sshll.u32 s5, $0x7  }
0x35: {  	s6 =	sand.u32 $0xFFFF0000, s11;
	s5 =	sand.u32 $0x380, s5  }
0x36: {  	s5 =	sor.u32 s5, s6  }
0x37: {  	s5 =	sshrl.u32 s5, $0x3  }
0x38: {  	s0 =	rddreg [dreg:$0x11];
	s6 =	sor.u32 $0x1C03, s4;
	s5 =	sadd.s32 s23, s5  }
0x39: {  	[hbm:s0@s22], [sflag:s6] =	dma.strided [hbm:s5@s22], $0x400, s28, $0x10   }
0x3a: {  	(v2sf) =	vpush v0, $0x3;
	_ =	sdelay $0xe  }
0x3b: {  	s5 =	spop (v2sf)  }
0x3c: {  	s7 =	sshll.u32 s5, $0xD;
	s5 =	sshll.u32 s5, $0x7  }
0x3d: {  	s7 =	sand.u32 $0xFFFF0000, s7;
	s5 =	sand.u32 $0x380, s5  }
0x3e: {  	s5 =	sor.u32 s5, s7  }
0x3f: {  	s5 =	sshrl.u32 s5, $0x3  }
0x40: {  	s26 =	sor.u32 $0x1C04, s4;
	s0 =	rddreg [dreg:$0x12];
	s5 =	sadd.s32 s23, s5  }
0x41: {  	[hbm:s0@s22], [sflag:s26] =	dma.strided [hbm:s5@s22], $0x400, s28, $0x10   }
0x42: {  	(v2sf) =	vpush v0, $0x4;
	_ =	sdelay $0xe  }
0x43: {  	s5 =	spop (v2sf)  }
0x44: {  	s12 =	sshll.u32 s5, $0xD;
	s5 =	sshll.u32 s5, $0x7  }
0x45: {  	s7 =	sand.u32 $0xFFFF0000, s12;
	s5 =	sand.u32 $0x380, s5  }
0x46: {  	s5 =	sor.u32 s5, s7  }
0x47: {  	s5 =	sshrl.u32 s5, $0x3  }
0x48: {  	s10 =	sor.u32 $0x1C05, s4;
	s0 =	rddreg [dreg:$0x13];
	s5 =	sadd.s32 s23, s5  }
0x49: {  	[hbm:s0@s22], [sflag:s10] =	dma.strided [hbm:s5@s22], $0x400, s28, $0x10   }
0x4a: {  	(v2sf) =	vpush v0, $0x5;
	_ =	sdelay $0xe  }
0x4b: {  	s5 =	spop (v2sf)  }
0x4c: {  	s13 =	sshll.u32 s5, $0xD;
	s5 =	sshll.u32 s5, $0x7  }
0x4d: {  	s7 =	sand.u32 $0xFFFF0000, s13;
	s5 =	sand.u32 $0x380, s5  }
0x4e: {  	s5 =	sor.u32 s5, s7  }
0x4f: {  	s5 =	sshrl.u32 s5, $0x3  }
0x50: {  	s24 =	sor.u32 $0x1C06, s4;
	s0 =	rddreg [dreg:$0x14];
	s5 =	sadd.s32 s23, s5  }
0x51: {  	[hbm:s0@s22], [sflag:s24] =	dma.strided [hbm:s5@s22], $0x400, s28, $0x10   }
0x52: {  	(v2sf) =	vpush v0, $0x6;
	_ =	sdelay $0xe  }
0x53: {  	s5 =	spop (v2sf)  }
0x54: {  	s14 =	sshll.u32 s5, $0xD;
	s5 =	sshll.u32 s5, $0x7  }
0x55: {  	s7 =	sand.u32 $0xFFFF0000, s14;
	s5 =	sand.u32 $0x380, s5  }
0x56: {  	s5 =	sor.u32 s5, s7  }
0x57: {  	s5 =	sshrl.u32 s5, $0x3  }
0x58: {  	s0 =	rddreg [dreg:$0x15];
	s7 =	sor.u32 $0x1C07, s4;
	s5 =	sadd.s32 s23, s5  }
0x59: {  	[hbm:s0@s22], [sflag:s7] =	dma.strided [hbm:s5@s22], $0x400, s28, $0x10   }
0x5a: {  	(v2sf) =	vpush v0, $0x7;
	_ =	sdelay $0xe  }
0x5b: {  	s5 =	spop (v2sf)  }
0x5c: {  	s12 =	sshll.u32 s5, $0xD;
	s5 =	sshll.u32 s5, $0x7  }
0x5d: {  	s12 =	sand.u32 $0xFFFF0000, s12;
	s5 =	sand.u32 $0x380, s5  }
0x5e: {  	s5 =	sor.u32 s5, s12  }
0x5f: {  	s5 =	sshrl.u32 s5, $0x3  }
0x60: {  	s4 =	sor.u32 $0x1C08, s4;
	s0 =	rddreg [dreg:$0x16];
	s5 =	sadd.s32 s23, s5  }
0x61: {  	[hbm:s0@s22], [sflag:s4] =	dma.strided [hbm:s5@s22], $0x400, s28, $0x10   }
0x62: {  	_ =	swait.ge [sflag:s28], $0x400  }
0x63: {  	(v2sf) =	vpush v0, $0x8;
	_ =	sdelay $0xe  }
0x64: {  	s15 =	spop (v2sf)  }
0x65: {  	s16 =	sshll.u32 s15, $0xD;
	s5 =	sshll.u32 s15, $0x7  }
0x66: {  	s12 =	sand.u32 $0xFFFF0000, s16;
	s5 =	sand.u32 $0x380, s5  }
0x67: {  	s5 =	sor.u32 s5, s12  }
0x68: {  	s9 =	simm.s32 $0x2;
	[sflag:s28] =	ssyncset.done $0x0;
	s5 =	sshrl.u32 s5, $0x3  }
0x69: {  	s17 =	rddreg [dreg:$0x17];
	[sflag:s28] =	ssyncadd.s32 $0xFFFFFC00;
	s5 =	sadd.s32 s23, s5  }
0x6a: {  	[hbm:s17@s22], [sflag:s8] =	dma.strided [hbm:s5@s22], $0x400, s28, $0x10   }
0x6b: {  	_ =	swait.ge [sflag:s9], $0x400  }
0x6c: {  	(v2sf) =	vpush v0, $0x9;
	_ =	sdelay $0xe  }
0x6d: {  	s18 =	spop (v2sf)  }
0x6e: {  	s19 =	sshll.u32 s18, $0xD;
	s5 =	sshll.u32 s18, $0x7  }
0x6f: {  	s12 =	sand.u32 $0xFFFF0000, s19;
	s5 =	sand.u32 $0x380, s5  }
0x70: {  	s5 =	sor.u32 s5, s12  }
0x71: {  	s11 =	simm.s32 $0x3;
	[sflag:s9] =	ssyncset.done $0x0;
	s5 =	sshrl.u32 s5, $0x3  }
0x72: {  	s20 =	rddreg [dreg:$0x18];
	[sflag:s9] =	ssyncadd.s32 $0xFFFFFC00;
	s5 =	sadd.s32 s23, s5  }
0x73: {  	[hbm:s20@s22], [sflag:s25] =	dma.strided [hbm:s5@s22], $0x400, s28, $0x10   }
0x74: {  	_ =	swait.ge [sflag:s11], $0x400  }
0x75: {  	(v2sf) =	vpush v0, $0xA;
	_ =	sdelay $0xe  }
0x76: {  	s21 =	spop (v2sf)  }
0x77: {  	s0 =	sshll.u32 s21, $0xD;
	s5 =	sshll.u32 s21, $0x7  }
0x78: {  	s12 =	sand.u32 $0xFFFF0000, s0;
	s5 =	sand.u32 $0x380, s5  }
0x79: {  	s5 =	sor.u32 s5, s12  }
0x7a: {  	s20 =	simm.s32 $0x4;
	[sflag:s11] =	ssyncset.done $0x0;
	s5 =	sshrl.u32 s5, $0x3  }
0x7b: {  	s1 =	rddreg [dreg:$0x19];
	[sflag:s11] =	ssyncadd.s32 $0xFFFFFC00;
	s5 =	sadd.s32 s23, s5  }
0x7c: {  	[hbm:s1@s22], [sflag:s6] =	dma.strided [hbm:s5@s22], $0x400, s28, $0x10   }
0x7d: {  	_ =	swait.ge [sflag:s20], $0x400  }
0x7e: {  	(v2sf) =	vpush v0, $0xB;
	_ =	sdelay $0xe  }
0x7f: {  	s2 =	spop (v2sf)  }
0x80: {  	s3 =	sshll.u32 s2, $0xD;
	s5 =	sshll.u32 s2, $0x7  }
0x81: {  	s12 =	sand.u32 $0xFFFF0000, s3;
	s5 =	sand.u32 $0x380, s5  }
0x82: {  	s5 =	sor.u32 s5, s12  }
0x83: {  	s21 =	simm.s32 $0x5;
	[sflag:s20] =	ssyncset.done $0x0;
	s5 =	sshrl.u32 s5, $0x3  }
0x84: {  	s13 =	rddreg [dreg:$0x1a];
	[sflag:s20] =	ssyncadd.s32 $0xFFFFFC00;
	s5 =	sadd.s32 s23, s5  }
0x85: {  	[hbm:s13@s22], [sflag:s26] =	dma.strided [hbm:s5@s22], $0x400, s28, $0x10   }
0x86: {  	_ =	swait.ge [sflag:s21], $0x400  }
0x87: {  	(v2sf) =	vpush v0, $0xC;
	_ =	sdelay $0xe  }
0x88: {  	s14 =	spop (v2sf)  }
0x89: {  	s15 =	sshll.u32 s14, $0xD;
	s5 =	sshll.u32 s14, $0x7  }
0x8a: {  	s12 =	sand.u32 $0xFFFF0000, s15;
	s5 =	sand.u32 $0x380, s5  }
0x8b: {  	s5 =	sor.u32 s5, s12  }
0x8c: {  	s1 =	simm.s32 $0x6;
	[sflag:s21] =	ssyncset.done $0x0;
	s5 =	sshrl.u32 s5, $0x3  }
0x8d: {  	s16 =	rddreg [dreg:$0x1b];
	[sflag:s21] =	ssyncadd.s32 $0xFFFFFC00;
	s5 =	sadd.s32 s23, s5  }
0x8e: {  	[hbm:s16@s22], [sflag:s10] =	dma.strided [hbm:s5@s22], $0x400, s28, $0x10   }
0x8f: {  	_ =	swait.ge [sflag:s1], $0x400  }
0x90: {  	(v2sf) =	vpush v0, $0xD;
	_ =	sdelay $0xe  }
0x91: {  	s17 =	spop (v2sf)  }
0x92: {  	s18 =	sshll.u32 s17, $0xD;
	s5 =	sshll.u32 s17, $0x7  }
0x93: {  	s12 =	sand.u32 $0xFFFF0000, s18;
	s5 =	sand.u32 $0x380, s5  }
0x94: {  	s5 =	sor.u32 s5, s12  }
0x95: {  	s3 =	simm.s32 $0x7;
	[sflag:s1] =	ssyncset.done $0x0;
	s5 =	sshrl.u32 s5, $0x3  }
0x96: {  	s19 =	rddreg [dreg:$0x1c];
	[sflag:s1] =	ssyncadd.s32 $0xFFFFFC00;
	s5 =	sadd.s32 s23, s5  }
0x97: {  	[hbm:s19@s22], [sflag:s24] =	dma.strided [hbm:s5@s22], $0x400, s28, $0x10   }
0x98: {  	_ =	swait.ge [sflag:s3], $0x400  }
0x99: {  	(v2sf) =	vpush v0, $0xE;
	_ =	sdelay $0xe  }
0x9a: {  	s0 =	spop (v2sf)  }
0x9b: {  	s2 =	sshll.u32 s0, $0xD;
	s5 =	sshll.u32 s0, $0x7  }
0x9c: {  	s12 =	sand.u32 $0xFFFF0000, s2;
	s5 =	sand.u32 $0x380, s5  }
0x9d: {  	s5 =	sor.u32 s5, s12  }
0x9e: {  	[sflag:s3] =	ssyncset.done $0x0;
	s13 =	rddreg [dreg:$0x1d];
	s5 =	sshrl.u32 s5, $0x3  }
0x9f: {  	[sflag:s3] =	ssyncadd.s32 $0xFFFFFC00;
	s2 =	simm.s32 $0x8;
	s5 =	sadd.s32 s23, s5  }
0xa0: {  	[hbm:s13@s22], [sflag:s7] =	dma.strided [hbm:s5@s22], $0x400, s28, $0x10   }
0xa1: {  	_ =	swait.ge [sflag:s2], $0x400  }
0xa2: {  	(v2sf) =	vpush v0, $0xF;
	_ =	sdelay $0xe  }
0xa3: {  	s14 =	spop (v2sf)  }
0xa4: {  	s15 =	sshll.u32 s14, $0xD;
	s5 =	sshll.u32 s14, $0x7  }
0xa5: {  	s12 =	sand.u32 $0xFFFF0000, s15;
	s5 =	sand.u32 $0x380, s5  }
0xa6: {  	s5 =	sor.u32 s5, s12  }
0xa7: {  	s17 =	simm.s32 $0x10;
	[sflag:s2] =	ssyncset.done $0x0;
	s5 =	sshrl.u32 s5, $0x3  }
0xa8: {  	s16 =	rddreg [dreg:$0x1e];
	[sflag:s2] =	ssyncadd.s32 $0xFFFFFC00;
	s5 =	sadd.s32 s23, s5  }
0xa9: {  	[hbm:s16@s22], [sflag:s4] =	dma.strided [hbm:s5@s22], $0x400, s28, $0x10   }
0xaa: {  	v0 =	vld [tilespmem:s17+$0x0];
	_ =	sdelay $0x3  }
0xab: {  	_ =	swait.ge [sflag:s28], $0x400  }
0xac: {  	(v2sf) =	vpush v0, $0x1  }
0xad: {  	(v2sf) =	vpush v0, $0x0  }
0xae: {  	(v2sf) =	vpush v0, $0x4;
	_ =	sdelay $0x1  }
0xaf: {  	(v2sf) =	vpush v0, $0x2  }
0xb0: {  	(v2sf) =	vpush v0, $0x3  }
0xb1: {  	(v2sf) =	vpush v0, $0x5;
	_ =	sdelay $0x2  }
0xb2: {  	(v2sf) =	vpush v0, $0x6  }
0xb3: {  	(v2sf) =	vpush v0, $0x9;
	_ =	sdelay $0x2  }
0xb4: {  	[dreg:$0x6] =	wrdreg s8  }
0xb5: {  	s18 =	rddreg [dreg:$0x4];
	[sflag:s28] =	ssyncset.done $0x0  }
0xb6: {  	[sflag:s28] =	ssyncadd.s32 $0xFFFFFC00;
	s14 =	sadd.s32 $0x0, s18;
	s19 =	spop (v2sf)  }
0xb7: {  	s13 =	spop (v2sf);
	s0 =	sshll.u32 s19, $0xD;
	s12 =	sshll.u32 s19, $0x7  }
0xb8: {  	s15 =	sshll.u32 s13, $0xD;
	s13 =	sshll.u32 s13, $0x7;
	s16 =	spop (v2sf)  }
0xb9: {  	s12 =	sand.u32 $0x380, s12;
	s15 =	sand.u32 $0xFFFF0000, s15;
	s13 =	sand.u32 $0x380, s13  }
0xba: {  	s5 =	sand.u32 $0xFFFF0000, s0;
	s17 =	spop (v2sf);
	s13 =	sor.u32 s13, s15  }
0xbb: {  	s5 =	sor.u32 s12, s5;
	s18 =	spop (v2sf);
	s13 =	sshrl.u32 s13, $0x3  }
0xbc: {  	s5 =	sshrl.u32 s5, $0x3;
	s19 =	spop (v2sf);
	s13 =	sadd.s32 s23, s13  }
0xbd: {  	[hbm:s14@s22], [sflag:s8] =	dma.strided [hbm:s13@s22], $0x400, s28, $0x10   }
0xbe: {  	s0 =	sshll.u32 s17, $0xD;
	s5 =	sadd.s32 s23, s5;
	_ =	swait.ge [sflag:s9], $0x400  }
0xbf: {  	s8 =	sadd.s32 $0x10, s14;
	[sflag:s9] =	ssyncset.done $0x0;
	s12 =	spop (v2sf)  }
0xc0: {  	[dreg:$0xb] =	wrdreg s25;
	(v2sf) =	vpush v0, $0x7;
	[sflag:s9] =	ssyncadd.s32 $0xFFFFFC00;
	s15 =	spop (v2sf)  }
0xc1: {  	[hbm:s8@s22], [sflag:s25] =	dma.strided [hbm:s5@s22], $0x400, s28, $0x10   }
0xc2: {  	s9 =	sadd.s32 $0x20, s14;
	s8 =	sshll.u32 s17, $0x7;
	s5 =	sand.u32 $0xFFFF0000, s0  }
0xc3: {  	s17 =	sshll.u32 s18, $0x7;
	s25 =	sshll.u32 s16, $0x7;
	s13 =	sand.u32 $0x380, s8  }
0xc4: {  	_ =	swait.ge [sflag:s11], $0x400;
	[dreg:$0x8] =	wrdreg s6;
	s5 =	sor.u32 s13, s5  }
0xc5: {  	s8 =	sshll.u32 s19, $0x7;
	[sflag:s11] =	ssyncset.done $0x0;
	s5 =	sshrl.u32 s5, $0x3  }
0xc6: {  	(v2sf) =	vpush v0, $0xB;
	s13 =	sshll.u32 s18, $0xD;
	[sflag:s11] =	ssyncadd.s32 $0xFFFFFC00;
	s5 =	sadd.s32 s23, s5  }
0xc7: {  	[hbm:s9@s22], [sflag:s6] =	dma.strided [hbm:s5@s22], $0x400, s28, $0x10   }
0xc8: {  	s18 =	sadd.s32 $0x30, s14;
	s11 =	sadd.s32 $0x50, s14;
	s5 =	sand.u32 $0xFFFF0000, s13  }
0xc9: {  	s13 =	sand.u32 $0x380, s17;
	s6 =	sshll.u32 s19, $0xD;
	s9 =	sadd.s32 $0x60, s14  }
0xca: {  	s5 =	sor.u32 s13, s5;
	_ =	swait.ge [sflag:s20], $0x400;
	[dreg:$0xd] =	wrdreg s26  }
0xcb: {  	s13 =	sand.u32 $0x380, s25;
	s5 =	sshrl.u32 s5, $0x3;
	[sflag:s20] =	ssyncset.done $0x0  }
0xcc: {  	s5 =	sadd.s32 s23, s5;
	[sflag:s20] =	ssyncadd.s32 $0xFFFFFC00;
	s20 =	sshll.u32 s16, $0xD  }
0xcd: {  	[hbm:s18@s22], [sflag:s26] =	dma.strided [hbm:s5@s22], $0x400, s28, $0x10   }
0xce: {  	s5 =	sand.u32 $0xFFFF0000, s20;
	s26 =	sadd.s32 $0x40, s14;
	s14 =	sadd.s32 $0x70, s14;
	(v2sf) =	vpush v0, $0x8  }
0xcf: {  	s5 =	sor.u32 s13, s5;
	s13 =	sand.u32 $0x380, s8;
	_ =	swait.ge [sflag:s21], $0x400  }
0xd0: {  	s5 =	sshrl.u32 s5, $0x3;
	[dreg:$0xc] =	wrdreg s10;
	[sflag:s21] =	ssyncset.done $0x0  }
0xd1: {  	s5 =	sadd.s32 s23, s5;
	(v2sf) =	vpush v0, $0xA;
	s0 =	spop (v2sf);
	[sflag:s21] =	ssyncadd.s32 $0xFFFFFC00  }
0xd2: {  	[hbm:s26@s22], [sflag:s10] =	dma.strided [hbm:s5@s22], $0x400, s28, $0x10   }
0xd3: {  	s21 =	sshll.u32 s15, $0xD;
	s15 =	sshll.u32 s15, $0x7;
	s5 =	sand.u32 $0xFFFF0000, s6  }
0xd4: {  	s10 =	sshll.u32 s12, $0xD;
	s12 =	sshll.u32 s12, $0x7;
	s18 =	sshll.u32 s0, $0xD  }
0xd5: {  	s19 =	sshll.u32 s0, $0x7;
	s15 =	sand.u32 $0x380, s15;
	s5 =	sor.u32 s13, s5  }
0xd6: {  	s13 =	sand.u32 $0xFFFF0000, s10;
	s12 =	sand.u32 $0x380, s12;
	_ =	swait.ge [sflag:s1], $0x400  }
0xd7: {  	[dreg:$0xa] =	wrdreg s24;
	s16 =	sand.u32 $0x380, s19;
	s5 =	sshrl.u32 s5, $0x3  }
0xd8: {  	s12 =	sor.u32 s12, s13;
	[sflag:s1] =	ssyncset.done $0x0;
	s13 =	simm.s32 $0x20  }
0xd9: {  	(v2sf) =	vpush v0, $0xC;
	s12 =	sshrl.u32 s12, $0x3;
	s5 =	sadd.s32 s23, s5;
	[sflag:s1] =	ssyncadd.s32 $0xFFFFFC00  }
0xda: {  	[hbm:s11@s22], [sflag:s24] =	dma.strided [hbm:s5@s22], $0x400, s28, $0x10   }
0xdb: {  	s5 =	sand.u32 $0xFFFF0000, s18;
	s12 =	sadd.s32 s23, s12;
	_ =	swait.ge [sflag:s3], $0x400  }
0xdc: {  	[dreg:$0x9] =	wrdreg s7;
	s5 =	sor.u32 s16, s5;
	s16 =	sand.u32 $0xFFFF0000, s21  }
0xdd: {  	[sflag:s3] =	ssyncset.done $0x0;
	s20 =	spop (v2sf);
	s5 =	sshrl.u32 s5, $0x3  }
0xde: {  	s15 =	sor.u32 s15, s16;
	[sflag:s3] =	ssyncadd.s32 $0xFFFFFC00;
	s5 =	sadd.s32 s23, s5  }
0xdf: {  	[hbm:s9@s22], [sflag:s7] =	dma.strided [hbm:s12@s22], $0x400, s28, $0x10   }
0xe0: {  	s17 =	sshrl.u32 s15, $0x3;
	s25 =	sshll.u32 s20, $0xD;
	_ =	swait.ge [sflag:s2], $0x400  }
0xe1: {  	s26 =	sshll.u32 s20, $0x7;
	s12 =	simm.s32 $0x4000;
	[sflag:s2] =	ssyncset.done $0x0  }
0xe2: {  	[dreg:$0x7] =	wrdreg s4;
	(v2sf) =	vpush v0, $0xD;
	s24 =	spop (v2sf);
	[sflag:s2] =	ssyncadd.s32 $0xFFFFFC00  }
0xe3: {  	[hbm:s14@s22], [sflag:s4] =	dma.strided [hbm:s5@s22], $0x400, s28, $0x10   }
0xe4: {  	s5 =	sand.u32 $0xFFFF0000, s25;
	s14 =	sand.u32 $0x380, s26;
	s28 =	sshll.u32 s24, $0xD  }
0xe5: {  	s16 =	sshll.u32 s24, $0x7;
	s14 =	sor.u32 s14, s5;
	s5 =	sand.u32 $0xFFFF0000, s28  }
0xe6: {  	s15 =	sand.u32 $0x380, s16;
	s16 =	sshrl.u32 s14, $0x3;
	s14 =	simm.s32 $0x0  }
.LBB2_2:
0xe7: {  	s1 =	simm.s32 $0x1  }
0xe8: {  	s5 =	sor.u32 s15, s5;
	s25 =	simm.s32 $0x80;
	_ =	swait.ge [sflag:s1], $0x400  }
0xe9: {  	s9 =	simm.s32 $0x2;
	s5 =	sshrl.u32 s5, $0x3;
	s19 =	rddreg [dreg:$0x5]  }
0xea: {  	s18 =	spop (v2sf);
	[sflag:s1] =	ssyncset.done $0x0;
	s8 =	rddreg [dreg:$0x6]  }
0xeb: {  	[sflag:s1] =	ssyncadd.s32 $0xFFFFFC00;
	s20 =	sshll.u32 s18, $0xD;
	s18 =	sshll.u32 s18, $0x7  }
0xec: {  	s14 =	sadd.s32 s14, s19;
	s20 =	sand.u32 $0xFFFF0000, s20;
	s18 =	sand.u32 $0x380, s18  }
0xed: {  	s22 =	rddreg [dreg:$0x1];
	s2 =	sadd.s32 $0x10, s14;
	s7 =	sadd.s32 $0x20, s14  }
0xee: {  	s19 =	sadd.s32 $0x60, s14;
	s21 =	spop (v2sf);
	s5 =	sadd.s32 s22, s5  }
0xef: {  	(v2sf) =	vpush v0, $0xE;
	s18 =	sor.u32 s18, s20;
	s23 =	sadd.s32 s22, s17;
	s16 =	sadd.s32 s22, s16  }
0xf0: {  	[hbm:s14@s25], [sflag:s8] =	dma.strided [hbm:s5@s25], $0x400, s1, $0x10   }
0xf1: {  	s24 =	sshrl.u32 s18, $0x3;
	s28 =	sshll.u32 s21, $0xD;
	s0 =	sshll.u32 s21, $0x7  }
0xf2: {  	s21 =	sadd.s32 $0x30, s14;
	_ =	swait.ge [sflag:s9], $0x400;
	s18 =	sand.u32 $0xFFFF0000, s28  }
0xf3: {  	s3 =	sand.u32 $0x380, s0;
	s17 =	sadd.s32 s22, s24;
	[sflag:s9] =	ssyncset.done $0x0  }
0xf4: {  	s26 =	rddreg [dreg:$0xb];
	s5 =	sor.u32 s3, s18;
	[sflag:s9] =	ssyncadd.s32 $0xFFFFFC00  }
0xf5: {  	[hbm:s2@s25], [sflag:s26] =	dma.strided [hbm:s23@s25], $0x400, s1, $0x10   }
0xf6: {  	s3 =	sadd.s32 $0x40, s14;
	s5 =	sshrl.u32 s5, $0x3;
	_ =	swait.ge [sflag:s29], $0x400  }
0xf7: {  	s5 =	sadd.s32 s22, s5;
	[sflag:s29] =	ssyncset.done $0x0;
	s4 =	spop (v2sf)  }
0xf8: {  	s11 =	rddreg [dreg:$0x8];
	(v2sf) =	vpush v0, $0xF;
	[sflag:s29] =	ssyncadd.s32 $0xFFFFFC00;
	s6 =	sshll.u32 s4, $0xD  }
0xf9: {  	[hbm:s7@s25], [sflag:s11] =	dma.strided [hbm:s17@s25], $0x400, s1, $0x10   }
0xfa: {  	s20 =	sshll.u32 s4, $0x7;
	_ =	swait.ge [sflag:s30], $0x400;
	s10 =	sand.u32 $0xFFFF0000, s6  }
0xfb: {  	s18 =	sand.u32 $0x380, s20;
	s6 =	sadd.s32 $0x50, s14;
	[sflag:s30] =	ssyncset.done $0x0  }
0xfc: {  	s28 =	rddreg [dreg:$0xd];
	s23 =	sor.u32 s18, s10;
	[sflag:s30] =	ssyncadd.s32 $0xFFFFFC00  }
0xfd: {  	[hbm:s21@s25], [sflag:s28] =	dma.strided [hbm:s16@s25], $0x400, s1, $0x10   }
0xfe: {  	s10 =	simm.s32 $0x6;
	s16 =	sshrl.u32 s23, $0x3;
	_ =	swait.ge [sflag:s31], $0x400  }
0xff: {  	s16 =	sadd.s32 s22, s16;
	s24 =	spop (v2sf);
	[sflag:s31] =	ssyncset.done $0x0  }
0x100: {  	s0 =	rddreg [dreg:$0xc];
	s2 =	sshll.u32 s24, $0xD;
	[sflag:s31] =	ssyncadd.s32 $0xFFFFFC00  }
0x101: {  	[hbm:s3@s25], [sflag:s0] =	dma.strided [hbm:s5@s25], $0x400, s1, $0x10   }
0x102: {  	s17 =	sshll.u32 s24, $0x7;
	s4 =	sand.u32 $0xFFFF0000, s2;
	_ =	swait.ge [sflag:s10], $0x400  }
0x103: {  	s17 =	sand.u32 $0x380, s17;
	s3 =	simm.s32 $0x7;
	[sflag:s10] =	ssyncset.done $0x0  }
0x104: {  	s5 =	sor.u32 s17, s4;
	s7 =	rddreg [dreg:$0xa];
	[sflag:s10] =	ssyncadd.s32 $0xFFFFFC00  }
0x105: {  	[hbm:s6@s25], [sflag:s7] =	dma.strided [hbm:s16@s25], $0x400, s1, $0x10   }
0x106: {  	s2 =	simm.s32 $0x8;
	s5 =	sshrl.u32 s5, $0x3;
	_ =	swait.ge [sflag:s3], $0x400  }
0x107: {  	s5 =	sadd.s32 s22, s5;
	s17 =	spop (v2sf);
	[sflag:s3] =	ssyncset.done $0x0  }
0x108: {  	s20 =	rddreg [dreg:$0x9];
	s18 =	sshll.u32 s17, $0xD;
	s16 =	sshll.u32 s17, $0x7  }
0x109: {  	[sflag:s3] =	ssyncadd.s32 $0xFFFFFC00;
	s16 =	sand.u32 $0x380, s16;
	s17 =	sand.u32 $0xFFFF0000, s18  }
0x10a: {  	[hbm:s19@s25], [sflag:s20] =	dma.strided [hbm:s5@s25], $0x400, s1, $0x10   }
0x10b: {  	_ =	swait.ge [sflag:s2], $0x400;
	s21 =	sor.u32 s16, s17  }
0x10c: {  	s23 =	sadd.s32 $0x70, s14;
	[sflag:s2] =	ssyncset.done $0x0;
	s5 =	sshrl.u32 s21, $0x3  }
0x10d: {  	s24 =	rddreg [dreg:$0x7];
	[sflag:s2] =	ssyncadd.s32 $0xFFFFFC00;
	s5 =	sadd.s32 s22, s5  }
0x10e: {  	[hbm:s23@s25], [sflag:s24] =	dma.strided [hbm:s5@s25], $0x400, s1, $0x10   }
0x10f: {  	v0 =	vld [tilespmem:s13+$0x0];
	_ =	sdelay $0x3  }
0x110: {  	_ =	swait.ge [sflag:s1], $0x400  }
0x111: {  	(v2sf) =	vpush v0, $0x1  }
0x112: {  	(v2sf) =	vpush v0, $0x0;
	_ =	sdelay $0x1  }
0x113: {  	(v2sf) =	vpush v0, $0x4;
	_ =	sdelay $0x1  }
0x114: {  	(v2sf) =	vpush v0, $0x2  }
0x115: {  	(v2sf) =	vpush v0, $0x3;
	_ =	sdelay $0x1  }
0x116: {  	(v2sf) =	vpush v0, $0x5;
	_ =	sdelay $0x2  }
0x117: {  	s15 =	smov.u32 s12;
	p0 =	sne.s32 s12, $0x38000  }
0x118: {  	s12 =	sadd.s32 $0x4000, s12;
	s14 =	smov.u32 s15;
	s4 =	rddreg [dreg:$0x4]  }
0x119: {  	s13 =	sadd.s32 $0x10, s13;
	[sflag:s1] =	ssyncset.done $0x0;
	s16 =	sadd.s32 s14, s4  }
0x11a: {  	[sflag:s1] =	ssyncadd.s32 $0xFFFFFC00;
	s18 =	sadd.s32 $0x20, s16;
	s20 =	sadd.s32 $0x10, s16  }
0x11b: {  	s19 =	sadd.s32 $0x30, s16;
	s17 =	sadd.s32 $0x40, s16;
	s6 =	spop (v2sf)  }
0x11c: {  	s15 =	sadd.s32 $0x60, s16;
	(v2sf) =	vpush v0, $0x6;
	s5 =	sshll.u32 s6, $0x7;
	s23 =	spop (v2sf)  }
0x11d: {  	s24 =	sshll.u32 s6, $0xD;
	(v2sf) =	vpush v0, $0x9;
	s7 =	sshll.u32 s23, $0xD;
	s5 =	sand.u32 $0x380, s5  }
0x11e: {  	s21 =	spop (v2sf);
	s23 =	sshll.u32 s23, $0x7;
	s24 =	sand.u32 $0xFFFF0000, s24  }
0x11f: {  	s0 =	sand.u32 $0xFFFF0000, s7;
	s23 =	sand.u32 $0x380, s23;
	s5 =	sor.u32 s5, s24  }
0x120: {  	s4 =	spop (v2sf);
	s0 =	sor.u32 s23, s0;
	s5 =	sshrl.u32 s5, $0x3  }
0x121: {  	s6 =	sshll.u32 s4, $0xD;
	s24 =	sshll.u32 s4, $0x7;
	s4 =	spop (v2sf)  }
0x122: {  	s0 =	sshrl.u32 s0, $0x3;
	s23 =	sand.u32 $0xFFFF0000, s6;
	s24 =	sand.u32 $0x380, s24  }
0x123: {  	s7 =	sshll.u32 s4, $0xD;
	s4 =	sshll.u32 s4, $0x7;
	s6 =	spop (v2sf)  }
0x124: {  	s0 =	sadd.s32 s22, s0;
	s23 =	sor.u32 s24, s23;
	s24 =	sand.u32 $0xFFFF0000, s7  }
0x125: {  	s4 =	sand.u32 $0x380, s4;
	s7 =	sshll.u32 s6, $0xD;
	s6 =	sshll.u32 s6, $0x7  }
0x126: {  	[hbm:s16@s25], [sflag:s8] =	dma.strided [hbm:s0@s25], $0x400, s1, $0x10   }
0x127: {  	s23 =	sshrl.u32 s23, $0x3;
	s4 =	sor.u32 s4, s24;
	s8 =	sand.u32 $0xFFFF0000, s7  }
0x128: {  	s6 =	sand.u32 $0x380, s6;
	s7 =	sshll.u32 s21, $0xD;
	_ =	swait.ge [sflag:s9], $0x400  }
0x129: {  	s0 =	sshrl.u32 s4, $0x3;
	s4 =	sor.u32 s6, s8;
	s6 =	sadd.s32 s22, s5;
	(v2sf) =	vpush v0, $0x7  }
0x12a: {  	s5 =	sadd.s32 $0x50, s16;
	s7 =	sand.u32 $0xFFFF0000, s7;
	[sflag:s9] =	ssyncset.done $0x0  }
0x12b: {  	s4 =	sshrl.u32 s4, $0x3;
	s0 =	sadd.s32 s22, s0;
	s24 =	spop (v2sf)  }
0x12c: {  	[sflag:s9] =	ssyncadd.s32 $0xFFFFFC00;
	s4 =	sadd.s32 s22, s4;
	s9 =	spop (v2sf)  }
0x12d: {  	[hbm:s20@s25], [sflag:s26] =	dma.strided [hbm:s6@s25], $0x400, s1, $0x10   }
0x12e: {  	s8 =	sshll.u32 s24, $0xD;
	s24 =	sshll.u32 s24, $0x7;
	_ =	swait.ge [sflag:s29], $0x400  }
0x12f: {  	s20 =	sand.u32 $0xFFFF0000, s8;
	s26 =	sadd.s32 s22, s23;
	[sflag:s29] =	ssyncset.done $0x0  }
0x130: {  	s8 =	sand.u32 $0x380, s24;
	s23 =	sshll.u32 s9, $0xD;
	(v2sf) =	vpush v0, $0xB;
	[sflag:s29] =	ssyncadd.s32 $0xFFFFFC00  }
0x131: {  	[hbm:s18@s25], [sflag:s11] =	dma.strided [hbm:s26@s25], $0x400, s1, $0x10   }
0x132: {  	s6 =	sor.u32 s8, s20;
	s20 =	sshll.u32 s21, $0x7;
	_ =	swait.ge [sflag:s30], $0x400  }
0x133: {  	s9 =	sshll.u32 s9, $0x7;
	s8 =	sand.u32 $0x380, s20;
	[sflag:s30] =	ssyncset.done $0x0  }
0x134: {  	s9 =	sand.u32 $0x380, s9;
	s7 =	sor.u32 s8, s7;
	[sflag:s30] =	ssyncadd.s32 $0xFFFFFC00  }
0x135: {  	[hbm:s19@s25], [sflag:s28] =	dma.strided [hbm:s0@s25], $0x400, s1, $0x10   }
0x136: {  	s6 =	sshrl.u32 s6, $0x3;
	s8 =	sadd.s32 $0x70, s16;
	s21 =	sshrl.u32 s7, $0x3;
	(v2sf) =	vpush v0, $0x8  }
0x137: {  	s7 =	sand.u32 $0xFFFF0000, s23;
	s0 =	sadd.s32 s22, s21;
	_ =	swait.ge [sflag:s31], $0x400  }
0x138: {  	[sflag:s31] =	ssyncset.done $0x0;
	s24 =	spop (v2sf);
	s28 =	rddreg [dreg:$0xc]  }
0x139: {  	(v2sf) =	vpush v0, $0xA;
	[sflag:s31] =	ssyncadd.s32 $0xFFFFFC00;
	s26 =	sshll.u32 s24, $0xD;
	s16 =	sshll.u32 s24, $0x7  }
0x13a: {  	[hbm:s17@s25], [sflag:s28] =	dma.strided [hbm:s0@s25], $0x400, s1, $0x10   }
0x13b: {  	s11 =	sand.u32 $0xFFFF0000, s26;
	s16 =	sand.u32 $0x380, s16;
	_ =	swait.ge [sflag:s10], $0x400  }
0x13c: {  	s7 =	sor.u32 s9, s7;
	s0 =	sor.u32 s16, s11;
	[sflag:s10] =	ssyncset.done $0x0  }
0x13d: {  	(v2sf) =	vpush v0, $0xC;
	s0 =	sshrl.u32 s0, $0x3;
	s17 =	rddreg [dreg:$0xa];
	[sflag:s10] =	ssyncadd.s32 $0xFFFFFC00  }
0x13e: {  	[hbm:s5@s25], [sflag:s17] =	dma.strided [hbm:s4@s25], $0x400, s1, $0x10   }
0x13f: {  	s19 =	sadd.s32 s22, s6;
	s0 =	sadd.s32 s22, s0;
	_ =	swait.ge [sflag:s3], $0x400  }
0x140: {  	s18 =	spop (v2sf);
	[sflag:s3] =	ssyncset.done $0x0;
	s21 =	rddreg [dreg:$0x9]  }
0x141: {  	[sflag:s3] =	ssyncadd.s32 $0xFFFFFC00;
	s20 =	sshll.u32 s18, $0xD;
	s4 =	sshll.u32 s18, $0x7  }
0x142: {  	[hbm:s15@s25], [sflag:s21] =	dma.strided [hbm:s19@s25], $0x400, s1, $0x10   }
0x143: {  	s17 =	sshrl.u32 s7, $0x3;
	s22 =	sand.u32 $0xFFFF0000, s20;
	s4 =	sand.u32 $0x380, s4  }
.Ltmp0:
0x144: {  	_ =	swait.ge [sflag:s2], $0x400;
	s4 =	sor.u32 s4, s22;
	(pc) =	sbr.rel @p0 .LBB2_2-.Ltmp0, $4  }
0x145: {  	[sflag:s2] =	ssyncset.done $0x0;
	s28 =	rddreg [dreg:$0x7];
	s23 =	spop (v2sf)  }
0x146: {  	(v2sf) =	vpush v0, $0xD;
	[sflag:s2] =	ssyncadd.s32 $0xFFFFFC00;
	s24 =	sshll.u32 s23, $0xD;
	s26 =	sshll.u32 s23, $0x7  }
0x147: {  	[hbm:s8@s25], [sflag:s28] =	dma.strided [hbm:s0@s25], $0x400, s1, $0x10   }
0x148: {  	s16 =	sshrl.u32 s4, $0x3;
	s5 =	sand.u32 $0xFFFF0000, s24;
	s15 =	sand.u32 $0x380, s26  }
0x149: {  	s10 =	simm.s32 $0x1;
	s4 =	sor.u32 s15, s5  }
0x14a: {  	s13 =	simm.s32 $0x80;
	s8 =	simm.s32 $0x2;
	_ =	swait.ge [sflag:s10], $0x400  }
0x14b: {  	s26 =	simm.s32 $0x5;
	s4 =	sshrl.u32 s4, $0x3;
	s0 =	rddreg [dreg:$0x5]  }
0x14c: {  	[sflag:s10] =	ssyncset.done $0x0;
	s9 =	spop (v2sf);
	s6 =	rddreg [dreg:$0x6]  }
0x14d: {  	[sflag:s10] =	ssyncadd.s32 $0xFFFFFC00;
	s12 =	sadd.s32 s14, s0;
	s15 =	spop (v2sf)  }
0x14e: {  	s20 =	sshll.u32 s9, $0xD;
	s5 =	sshll.u32 s9, $0x7;
	s9 =	simm.s32 $0x3  }
0x14f: {  	s14 =	simm.s32 $0x4;
	s11 =	rddreg [dreg:$0x1];
	s19 =	sadd.s32 $0x10, s12  }
0x150: {  	(v2sf) =	vpush v0, $0xE;
	s5 =	sand.u32 $0x380, s5;
	s3 =	sadd.s32 $0x20, s12;
	s4 =	sadd.s32 s11, s4  }
0x151: {  	[hbm:s12@s13], [sflag:s6] =	dma.strided [hbm:s4@s13], $0x400, s10, $0x10   }
0x152: {  	s23 =	sadd.s32 $0x30, s12;
	s25 =	sshll.u32 s15, $0xD;
	_ =	swait.ge [sflag:s8], $0x400  }
0x153: {  	s18 =	sadd.s32 s11, s17;
	s4 =	sand.u32 $0xFFFF0000, s20;
	[sflag:s8] =	ssyncset.done $0x0  }
0x154: {  	s4 =	sor.u32 s5, s4;
	s1 =	rddreg [dreg:$0xb];
	[sflag:s8] =	ssyncadd.s32 $0xFFFFFC00  }
0x155: {  	[hbm:s19@s13], [sflag:s1] =	dma.strided [hbm:s18@s13], $0x400, s10, $0x10   }
0x156: {  	s0 =	sshll.u32 s15, $0x7;
	s4 =	sshrl.u32 s4, $0x3;
	_ =	swait.ge [sflag:s9], $0x400  }
0x157: {  	s2 =	sadd.s32 $0x40, s12;
	s4 =	sadd.s32 s11, s4;
	[sflag:s9] =	ssyncset.done $0x0  }
0x158: {  	s21 =	spop (v2sf);
	(v2sf) =	vpush v0, $0xF;
	s7 =	rddreg [dreg:$0x8];
	[sflag:s9] =	ssyncadd.s32 $0xFFFFFC00  }
0x159: {  	[hbm:s3@s13], [sflag:s7] =	dma.strided [hbm:s4@s13], $0x400, s10, $0x10   }
0x15a: {  	s22 =	sadd.s32 s11, s16;
	s0 =	sand.u32 $0x380, s0;
	_ =	swait.ge [sflag:s14], $0x400  }
0x15b: {  	s16 =	simm.s32 $0x6;
	s4 =	sand.u32 $0xFFFF0000, s25;
	[sflag:s14] =	ssyncset.done $0x0  }
0x15c: {  	s0 =	sor.u32 s0, s4;
	s24 =	rddreg [dreg:$0xd];
	[sflag:s14] =	ssyncadd.s32 $0xFFFFFC00  }
0x15d: {  	[hbm:s23@s13], [sflag:s24] =	dma.strided [hbm:s22@s13], $0x400, s10, $0x10   }
0x15e: {  	s15 =	sshll.u32 s21, $0xD;
	s0 =	sshrl.u32 s0, $0x3;
	_ =	swait.ge [sflag:s26], $0x400  }
0x15f: {  	s5 =	sshll.u32 s21, $0x7;
	s0 =	sadd.s32 s11, s0;
	[sflag:s26] =	ssyncset.done $0x0  }
0x160: {  	s28 =	spop (v2sf);
	s3 =	rddreg [dreg:$0xc];
	[sflag:s26] =	ssyncadd.s32 $0xFFFFFC00  }
0x161: {  	[hbm:s2@s13], [sflag:s3] =	dma.strided [hbm:s0@s13], $0x400, s10, $0x10   }
0x162: {  	s17 =	sadd.s32 $0x50, s12;
	s5 =	sand.u32 $0x380, s5;
	s0 =	sand.u32 $0xFFFF0000, s15  }
0x163: {  	s19 =	sshll.u32 s28, $0xD;
	s0 =	sor.u32 s5, s0;
	_ =	swait.ge [sflag:s16], $0x400  }
0x164: {  	s4 =	sshll.u32 s28, $0x7;
	s0 =	sshrl.u32 s0, $0x3;
	[sflag:s16] =	ssyncset.done $0x0  }
0x165: {  	s18 =	rddreg [dreg:$0xa];
	s0 =	sadd.s32 s11, s0;
	[sflag:s16] =	ssyncadd.s32 $0xFFFFFC00  }
0x166: {  	[hbm:s17@s13], [sflag:s18] =	dma.strided [hbm:s0@s13], $0x400, s10, $0x10   }
0x167: {  	s4 =	sand.u32 $0x380, s4;
	s3 =	simm.s32 $0x7;
	s0 =	sand.u32 $0xFFFF0000, s19  }
0x168: {  	s0 =	sor.u32 s4, s0;
	_ =	swait.ge [sflag:s3], $0x400  }
0x169: {  	s21 =	sadd.s32 $0x60, s12;
	s0 =	sshrl.u32 s0, $0x3;
	[sflag:s3] =	ssyncset.done $0x0  }
0x16a: {  	s20 =	spop (v2sf);
	s22 =	rddreg [dreg:$0x9];
	[sflag:s3] =	ssyncadd.s32 $0xFFFFFC00  }
0x16b: {  	s0 =	sadd.s32 s11, s0;
	s23 =	sshll.u32 s20, $0xD;
	s4 =	sshll.u32 s20, $0x7  }
0x16c: {  	[hbm:s21@s13], [sflag:s22] =	dma.strided [hbm:s0@s13], $0x400, s10, $0x10   }
0x16d: {  	s2 =	simm.s32 $0x8;
	s4 =	sand.u32 $0x380, s4;
	s0 =	sand.u32 $0xFFFF0000, s23  }
0x16e: {  	s0 =	sor.u32 s4, s0;
	_ =	swait.ge [sflag:s2], $0x400  }
0x16f: {  	s24 =	sadd.s32 $0x70, s12;
	[sflag:s2] =	ssyncset.done $0x0;
	s0 =	sshrl.u32 s0, $0x3  }
0x170: {  	s25 =	rddreg [dreg:$0x7];
	[sflag:s2] =	ssyncadd.s32 $0xFFFFFC00;
	s0 =	sadd.s32 s11, s0  }
0x171: {  	[hbm:s24@s13], [sflag:s25] =	dma.strided [hbm:s0@s13], $0x400, s10, $0x10   }
0x172: {  	_ =	swait.ge [sflag:s10], $0x400  }
0x173: {  	[sflag:s10] =	ssyncset.done $0x0  }
0x174: {  	[sflag:s10] =	ssyncadd.s32 $0xFFFFFC00  }
0x175: {  	_ =	swait.ge [sflag:s8], $0x400  }
0x176: {  	[sflag:s8] =	ssyncset.done $0x0  }
0x177: {  	[sflag:s8] =	ssyncadd.s32 $0xFFFFFC00  }
0x178: {  	_ =	swait.ge [sflag:s9], $0x400  }
0x179: {  	[sflag:s9] =	ssyncset.done $0x0  }
0x17a: {  	[sflag:s9] =	ssyncadd.s32 $0xFFFFFC00  }
0x17b: {  	_ =	swait.ge [sflag:s14], $0x400  }
0x17c: {  	[sflag:s14] =	ssyncset.done $0x0  }
0x17d: {  	[sflag:s14] =	ssyncadd.s32 $0xFFFFFC00  }
0x17e: {  	_ =	swait.ge [sflag:s26], $0x400  }
0x17f: {  	[sflag:s26] =	ssyncset.done $0x0  }
0x180: {  	[sflag:s26] =	ssyncadd.s32 $0xFFFFFC00  }
0x181: {  	_ =	swait.ge [sflag:s16], $0x400  }
0x182: {  	[sflag:s16] =	ssyncset.done $0x0  }
0x183: {  	[sflag:s16] =	ssyncadd.s32 $0xFFFFFC00  }
0x184: {  	_ =	swait.ge [sflag:s3], $0x400  }
0x185: {  	[sflag:s3] =	ssyncset.done $0x0  }
0x186: {  	[sflag:s3] =	ssyncadd.s32 $0xFFFFFC00  }
0x187: {  	_ =	swait.ge [sflag:s2], $0x400  }
0x188: {  	s26 =	sld [smem:$0x7FD];
	_ =	sdelay $0x2  }
0x189: {  	s28 =	rddreg [dreg:$0x1f];
	s4 =	sadd.s32 $0x1, s26  }
0x18a: {  	p0 =	sne.s32 s4, s28  }
.Ltmp1:
0x18b: {  	_ = 	snop;
	(pc) =	sbr.rel @p0 .LBB2_1-.Ltmp1, $3  }
0x18c: {  	_ =	sdelay $0x1  }
0x18d: {  	[sflag:s2] =	ssyncset.done $0x0  }
0x18e: {  	[sflag:s2] =	ssyncadd.s32 $0xFFFFFC00  }
0x18f: {  	_ =	sfence.sel $0x180000  }
0x190: {  	[bflag:$0x0] =	sbarrier.arrive $0xFFFF  }
0x191: {  	_ =	strace $0x90000047  }
0x192: {  	s0 =	stileid.u32;
	[bflag:$0x2] =	sbarrier.arrive $0xFFFF  }
0x193: {  	p0 =	sne.s32 s0, $0x0;
	s0 =	rddreg [dreg:$0x3]  }
0x194: {  	s0 =	sadd.s32 @!p0 $0x100000, s0  }
0x195: {  	[sflag:s0] =	ssyncadd.tile.s32 @!p0 $0x1;
	_ =	shalt  }
.Lfunc_end2:
_tile_overlayer_lowered:
.L_overlay_start_2:
0x196: {  	(tag) =	ssettag $0x2  }
0x197: {  	s0 =	rddreg [dreg:$0x0];
	s2 =	stileid.u32  }
0x198: {  	s1 =	rddreg [dreg:$0x1];
	p0 =	sne.s32 s2, $0x0  }
0x199: {  	s3 =	rddreg [dreg:$0x2];
	[bflag:$0x3] =	sbarrier.arrive $0xFFFF;
	s2 =	simm.s32 @!p0 $0x1C09  }
0x19a: {  	[timem:s3], [sflag:s2] =	dma.local @!p0 [hbm:s0], s1  }
0x19b: {  	s0 =	simm.s32 @!p0 $0x9  }
0x19c: {  	_ =	swait.ge @!p0 [sflag:s0], s1  }
0x19d: {  	s1 =	ssub.s32 @!p0 $0x0, s1;
	[sflag:s0] =	ssyncset.done @!p0 $0x0  }
0x19e: {  	[sflag:s0] =	ssyncadd.s32 @!p0 s1  }
0x19f: {  	[bflag:$0x3] =	sbarrier.arrive $0xFFFF  }
0x1a0: {  	_ =	shalt  }

</sc_bundles>
